<compile_context>
chip_gen: v7x
topology: tpu7x:2x2x1
jax: 0.10.2.dev20260603
libtpu: 0.0.44.dev20260713+nightly
codegen_flags: <defaults>
</compile_context>

<pallas_src>
import functools

import jax
import jax.numpy as jnp
from jax import lax
from jax.experimental import pallas as pl
from jax.experimental.pallas import tpu as pltpu
from jax.experimental.pallas import tpu_sc as plsc

NC = 2
NS = 16
NW = NC * NS
LANES = 16
K = 80
ZR = 40


def _sc_mesh():
    return plsc.VectorSubcoreMesh(
        core_axis_name="c", subcore_axis_name="s", num_cores=NC, num_subcores=NS
    )


def _phase1_scatter(edge_attr, src, n_nodes):
    E, D = edge_attr.shape
    N = n_nodes
    EPW = E // NW
    NCH = EPW // K
    G = D // LANES
    NZC = N // ZR
    NBUF = 3

    @functools.partial(
        pl.kernel,
        out_type=(
            jax.ShapeDtypeStruct((NC, N, D), jnp.float32),
            jax.ShapeDtypeStruct((NW, N), jnp.float32),
        ),
        mesh=_sc_mesh(),
        compiler_params=pltpu.CompilerParams(needs_layout_passes=False),
        scratch_types=[
            pltpu.VMEM_SHARED((N, D), jnp.float32),
            [pltpu.VMEM((K, D), jnp.float32) for _ in range(NBUF)],
            [pltpu.VMEM((K,), jnp.int32) for _ in range(NBUF)],
            pltpu.VMEM((N,), jnp.float32),
            pltpu.VMEM((ZR, D), jnp.float32),
            [pltpu.SemaphoreType.DMA for _ in range(NBUF)],
            [pltpu.SemaphoreType.DMA for _ in range(NBUF)],
            [pltpu.SemaphoreType.DMA for _ in range(NBUF)],
        ],
    )
    def scatter_k(edge_hbm, src_hbm, psum_hbm, pcnt_hbm,
                  acc_sh, rows_v, idx_v, hist_v, zrow_v, si, sr, ss):
        cid = lax.axis_index("c")
        sid = lax.axis_index("s")
        wid = cid * NS + sid

        @pl.loop(0, ZR)
        def _(r):
            @pl.loop(0, G)
            def _(g):
                zrow_v[r, pl.ds(g * LANES, LANES)] = jnp.zeros((LANES,), jnp.float32)

        @pl.loop(0, N // LANES)
        def _(g):
            hist_v[pl.ds(g * LANES, LANES)] = jnp.zeros((LANES,), jnp.float32)

        @pl.loop(0, NZC)
        def _(t):
            @pl.when(lax.rem(t, NS) == sid)
            def _():
                pltpu.sync_copy(zrow_v, acc_sh.at[pl.ds(t * ZR, ZR)])

        plsc.subcore_barrier()

        e0 = wid * EPW
        ones = jnp.ones((LANES,), jnp.float32)

        def fetch(c, j):
            base = e0 + c * K
            pltpu.async_copy(src_hbm.at[pl.ds(base, K)], idx_v[j], si[j])
            pltpu.async_copy(edge_hbm.at[pl.ds(base, K)], rows_v[j], sr[j])

        def drain_scatter(j):
            pltpu.make_async_copy(rows_v[j], acc_sh.at[idx_v[j]], ss[j]).wait()

        def consume(j):
            pltpu.make_async_copy(src_hbm.at[pl.ds(e0, K)], idx_v[j], si[j]).wait()
            pltpu.make_async_copy(edge_hbm.at[pl.ds(e0, K)], rows_v[j], sr[j]).wait()
            pltpu.async_copy(rows_v[j], acc_sh.at[idx_v[j]], ss[j], add=True)
            for g in range(K // LANES):
                iv = idx_v[j][pl.ds(g * LANES, LANES)]
                plsc.addupdate_scatter(hist_v, [iv], ones)

        fetch(0, 0)

        @pl.loop(0, NCH - 1)
        def _(c):
            jn = lax.rem(c + 1, NBUF)
            for j in range(NBUF):
                @pl.when(jn == j)
                def _():
                    @pl.when(c >= NBUF - 1)
                    def _():
                        drain_scatter(j)
                    fetch(c + 1, j)
            jc = lax.rem(c, NBUF)
            for j in range(NBUF):
                @pl.when(jc == j)
                def _():
                    consume(j)

        consume((NCH - 1) % NBUF)
        for j in range(NBUF):
            drain_scatter(j)

        pltpu.sync_copy(hist_v, pcnt_hbm.at[wid])
        plsc.subcore_barrier()

        @pl.loop(0, NZC)
        def _(t):
            @pl.when(lax.rem(t, NS) == sid)
            def _():
                r0 = t * ZR
                pltpu.sync_copy(acc_sh.at[pl.ds(r0, ZR)], psum_hbm.at[cid, pl.ds(r0, ZR)])

    return scatter_k(edge_attr, src)


def _phase2_node_update(psum, pcnt_t, node_attr, wt, b2):
    N, D = node_attr.shape
    BN = 1000

    def body(ps_ref, pc_ref, na_ref, wt_ref, b_ref, out_ref):
        counts = jnp.sum(pc_ref[...], axis=0)[:, None]
        sums = ps_ref[0, :, :] + ps_ref[1, :, :]
        mean = sums / jnp.maximum(counts, 1.0)
        x = na_ref[...] + 0.5 * mean
        z = jnp.dot(x, wt_ref[...], preferred_element_type=jnp.float32) + b_ref[...]
        out_ref[...] = 0.5 / (1.0 + jnp.exp(-z))

    return pl.pallas_call(
        body,
        out_shape=jax.ShapeDtypeStruct((N, D), jnp.float32),
    )(psum, pcnt_t, node_attr, wt, b2)


def _phase3_gather(emb_half, src, dst):
    N, D = emb_half.shape
    E = src.shape[0]
    EPW = E // NW
    NCH = EPW // K
    G = D // LANES

    NBUF = 2

    @functools.partial(
        pl.kernel,
        out_type=jax.ShapeDtypeStruct((E, D), jnp.float32),
        mesh=_sc_mesh(),
        scratch_types=[
            pltpu.VMEM((EPW,), jnp.int32),
            pltpu.VMEM((EPW,), jnp.int32),
            [pltpu.VMEM((K, D), jnp.float32) for _ in range(NBUF)],
            [pltpu.VMEM((K, D), jnp.float32) for _ in range(NBUF)],
            [pltpu.VMEM((K, D), jnp.float32) for _ in range(NBUF)],
            [pltpu.SemaphoreType.DMA for _ in range(NBUF)],
            [pltpu.SemaphoreType.DMA for _ in range(NBUF)],
            [pltpu.SemaphoreType.DMA for _ in range(NBUF)],
        ],
    )
    def gather_k(emb_hbm, src_hbm, dst_hbm, out_hbm,
                 ia_v, ib_v, ba_v, bb_v, bo_v, sa, sb, so):
        cid = lax.axis_index("c")
        sid = lax.axis_index("s")
        wid = cid * NS + sid
        e0 = wid * EPW

        pltpu.sync_copy(src_hbm.at[pl.ds(e0, EPW)], ia_v)
        pltpu.sync_copy(dst_hbm.at[pl.ds(e0, EPW)], ib_v)

        def fetch(c, j):
            o = c * K
            pltpu.async_copy(emb_hbm.at[ia_v.at[pl.ds(o, K)]], ba_v[j], sa[j])
            pltpu.async_copy(emb_hbm.at[ib_v.at[pl.ds(o, K)]], bb_v[j], sb[j])

        def drain_out(j):
            pltpu.make_async_copy(bo_v[j], out_hbm.at[pl.ds(e0, K)], so[j]).wait()

        def consume(c, j):
            o = c * K
            pltpu.make_async_copy(
                emb_hbm.at[ia_v.at[pl.ds(o, K)]], ba_v[j], sa[j]).wait()
            pltpu.make_async_copy(
                emb_hbm.at[ib_v.at[pl.ds(o, K)]], bb_v[j], sb[j]).wait()

            @plsc.parallel_loop(0, K * G, unroll=8)
            def _(i):
                r = lax.shift_right_logical(i, 3)
                g = lax.shift_left(lax.bitwise_and(i, G - 1), 4)
                bo_v[j][r, pl.ds(g, LANES)] = (
                    ba_v[j][r, pl.ds(g, LANES)] + bb_v[j][r, pl.ds(g, LANES)]
                )

            pltpu.async_copy(bo_v[j], out_hbm.at[pl.ds(e0 + c * K, K)], so[j])

        fetch(0, 0)

        @pl.loop(0, NCH - 1)
        def _(c):
            jn = lax.rem(c + 1, NBUF)
            for j in range(NBUF):
                @pl.when(jn == j)
                def _():
                    fetch(c + 1, j)
            jc = lax.rem(c, NBUF)
            for j in range(NBUF):
                @pl.when(jc == j)
                def _():
                    @pl.when(c >= NBUF)
                    def _():
                        drain_out(j)
                    consume(c, j)

        cl = NCH - 1
        jl = cl % NBUF
        drain_out(jl)
        consume(cl, jl)

        for j in range(NBUF):
            drain_out(j)

    return gather_k(emb_half, src, dst)


def kernel(edge_attr, edge_index, node_attr, W, b):
    edge_index = edge_index.astype(jnp.int32)
    src = edge_index[0]
    dst = edge_index[1]
    psum, pcnt = _phase1_scatter(edge_attr, src, node_attr.shape[0])
    emb_half = _phase2_node_update(
        psum, pcnt, node_attr, W.T, b.reshape(1, -1).astype(jnp.float32)
    )
    return _phase3_gather(emb_half, src, dst)

# --- scband reference (transcript-rebuilt; emitter-appended) ---
"""Pipeline reference for scband-edge-sagelayer-59021440582266 (READ-ONLY COPY).

The authoritative reference and input builder live on the scoring server;
editing this copy changes nothing except your own understanding.
"""

import jax, jax.numpy as jnp
import numpy as np

N_NODES = 10000
N_EDGES = 320000
D = 128

def setup_inputs(seed: int = 0) -> dict:
    key = jax.random.key(seed)
    k1, k2, k3, k4 = jax.random.split(key, 4)
    edge_attr = jax.random.normal(k1, (N_EDGES, D), dtype=jnp.float32)
    edge_index = jax.random.randint(k2, (2, N_EDGES), 0, N_NODES)
    node_attr = jax.random.normal(k3, (N_NODES, D), dtype=jnp.float32)
    # Linear layer params: W [out, in], b [out] (torch nn.Linear convention)
    W = jax.random.normal(k4, (D, D), dtype=jnp.float32) * (1.0 / np.sqrt(D))
    b = jnp.zeros((D,), dtype=jnp.float32)
    return {"edge_attr": edge_attr, "edge_index": edge_index, "node_attr": node_attr, "W": W, "b": b}

def reference(edge_attr, edge_index, node_attr, W, b):
    num_nodes = node_attr.shape[0]
    src = edge_index[0]
    dst = edge_index[1]
    target_indices = src.reshape(-1)
    # scatter_mean(edge_attr, target_indices, dim=0, dim_size=num_nodes)
    sums = jax.ops.segment_sum(edge_attr, target_indices, num_segments=num_nodes)
    counts = jax.ops.segment_sum(jnp.ones((edge_attr.shape[0],), dtype=edge_attr.dtype), target_indices, num_segments=num_nodes)
    edge_aggregated_mean = sums / jnp.clip(counts, 1.0)[:, None]
    mean_sum_embedds = node_attr + edge_aggregated_mean / 2
    node_embeddings = jax.nn.sigmoid(mean_sum_embedds @ W.T + b)
    edge_embeddings = (node_embeddings[src] + node_embeddings[dst]) / 2
    return edge_embeddings

if __name__ == "__main__":
    import jax
    _d = setup_inputs()
    print(jax.jit(kernel)(*tuple(_d.values())))

</pallas_src>

<mosaic_0001>
#map = affine_map<(d0, d1) -> (0, 0)>
#map1 = affine_map<(d0, d1) -> (0)>
module attributes {stable_mosaic.version = 14 : i64} {
  func.func @gather_k(%arg0: i32, %arg1: i32, %arg2: memref<10000x128xf32, #tpu.memory_space<hbm>>, %arg3: memref<320000xi32, #tpu.memory_space<hbm>>, %arg4: memref<320000xi32, #tpu.memory_space<hbm>>, %arg5: memref<320000x128xf32, #tpu.memory_space<hbm>>, %arg6: memref<10000xi32, #tpu.memory_space<vmem>>, %arg7: memref<10000xi32, #tpu.memory_space<vmem>>, %arg8: memref<80x128xf32, #tpu.memory_space<vmem>>, %arg9: memref<80x128xf32, #tpu.memory_space<vmem>>, %arg10: memref<80x128xf32, #tpu.memory_space<vmem>>, %arg11: memref<80x128xf32, #tpu.memory_space<vmem>>, %arg12: memref<80x128xf32, #tpu.memory_space<vmem>>, %arg13: memref<80x128xf32, #tpu.memory_space<vmem>>, %arg14: memref<!tpu.dma_semaphore, #tpu.memory_space<semaphore_mem>>, %arg15: memref<!tpu.dma_semaphore, #tpu.memory_space<semaphore_mem>>, %arg16: memref<!tpu.dma_semaphore, #tpu.memory_space<semaphore_mem>>, %arg17: memref<!tpu.dma_semaphore, #tpu.memory_space<semaphore_mem>>, %arg18: memref<!tpu.dma_semaphore, #tpu.memory_space<semaphore_mem>>, %arg19: memref<!tpu.dma_semaphore, #tpu.memory_space<semaphore_mem>>) attributes {dimension_semantics = [#tpu.dimension_semantics<core_parallel>, #tpu.dimension_semantics<subcore_parallel>], iteration_bounds = array<i64: 2, 16>, scalar_prefetch = 0 : i64, scratch_operands = 14 : i64, tpu.core_type = #tpu.core_type<sc_vector_subcore>, window_params = [{transform_indices = #map}, {transform_indices = #map1}, {transform_indices = #map1}, {transform_indices = #map}]} {
    %mul3A = arith.constant 16 : i32
    %mul3A_0 = arith.muli %arg0, %mul3A : i32
    %add3A = arith.addi %mul3A_0, %arg1 : i32
    %mul3A_1 = arith.constant 10000 : i32
    %mul3A_2 = arith.muli %add3A, %mul3A_1 : i32
    "tpu.region"() ({
      %run_scoped3A = tpu.sem_alloc : memref<!tpu.dma_semaphore, #tpu.memory_space<semaphore_mem>>
      %dma_start3A_45 = tpu.memref_slice %arg3[%mul3A_2] : memref<320000xi32, #tpu.memory_space<hbm>> -> memref<10000xi32, #tpu.memory_space<hbm>>
      %dma_start3A_46 = tpu.memref_slice %arg3[%mul3A_2] : memref<320000xi32, #tpu.memory_space<hbm>> -> memref<10000xi32, #tpu.memory_space<hbm>>
      tpu.enqueue_dma source(%dma_start3A_46 : memref<10000xi32, #tpu.memory_space<hbm>>) target(%arg6 : memref<10000xi32, #tpu.memory_space<vmem>>) target_semaphore(%run_scoped3A : memref<!tpu.dma_semaphore, #tpu.memory_space<semaphore_mem>>)
      %dma_wait3A_47 = tpu.memref_slice %arg3[%mul3A_2] : memref<320000xi32, #tpu.memory_space<hbm>> -> memref<10000xi32, #tpu.memory_space<hbm>>
      %dma_wait3A_48 = tpu.memref_slice %arg3[%mul3A_2] : memref<320000xi32, #tpu.memory_space<hbm>> -> memref<10000xi32, #tpu.memory_space<hbm>>
      tpu.wait_dma2 semaphore(%run_scoped3A : memref<!tpu.dma_semaphore, #tpu.memory_space<semaphore_mem>>) src(%dma_wait3A_48 : memref<10000xi32, #tpu.memory_space<hbm>>) dst(%arg6 : memref<10000xi32, #tpu.memory_space<vmem>>)
      tpu.yield
    }) : () -> ()
    "tpu.region"() ({
      %run_scoped3A = tpu.sem_alloc : memref<!tpu.dma_semaphore, #tpu.memory_space<semaphore_mem>>
      %dma_start3A_45 = tpu.memref_slice %arg4[%mul3A_2] : memref<320000xi32, #tpu.memory_space<hbm>> -> memref<10000xi32, #tpu.memory_space<hbm>>
      %dma_start3A_46 = tpu.memref_slice %arg4[%mul3A_2] : memref<320000xi32, #tpu.memory_space<hbm>> -> memref<10000xi32, #tpu.memory_space<hbm>>
      tpu.enqueue_dma source(%dma_start3A_46 : memref<10000xi32, #tpu.memory_space<hbm>>) target(%arg7 : memref<10000xi32, #tpu.memory_space<vmem>>) target_semaphore(%run_scoped3A : memref<!tpu.dma_semaphore, #tpu.memory_space<semaphore_mem>>)
      %dma_wait3A_47 = tpu.memref_slice %arg4[%mul3A_2] : memref<320000xi32, #tpu.memory_space<hbm>> -> memref<10000xi32, #tpu.memory_space<hbm>>
      %dma_wait3A_48 = tpu.memref_slice %arg4[%mul3A_2] : memref<320000xi32, #tpu.memory_space<hbm>> -> memref<10000xi32, #tpu.memory_space<hbm>>
      tpu.wait_dma2 semaphore(%run_scoped3A : memref<!tpu.dma_semaphore, #tpu.memory_space<semaphore_mem>>) src(%dma_wait3A_48 : memref<10000xi32, #tpu.memory_space<hbm>>) dst(%arg7 : memref<10000xi32, #tpu.memory_space<vmem>>)
      tpu.yield
    }) : () -> ()
    %dma_start3A = arith.constant 0 : i32
    %dma_start3A_3 = tpu.memref_slice %arg6[%dma_start3A] : memref<10000xi32, #tpu.memory_space<vmem>> -> memref<80xi32, #tpu.memory_space<vmem>>
    %dma_start3A_4 = arith.constant 0 : i32
    %dma_start3A_5 = arith.constant 0 : i32
    %dma_start3A_6 = tpu.memref_slice %arg2[%dma_start3A_4, %dma_start3A_5] : memref<10000x128xf32, #tpu.memory_space<hbm>> -> memref<10000x128xf32, #tpu.memory_space<hbm>>
    tpu.enqueue_indirect_dma source(%dma_start3A_6 : memref<10000x128xf32, #tpu.memory_space<hbm>>) target(%arg8 : memref<80x128xf32, #tpu.memory_space<vmem>>) offsets(%dma_start3A_3 : memref<80xi32, #tpu.memory_space<vmem>>) semaphore(%arg14 : memref<!tpu.dma_semaphore, #tpu.memory_space<semaphore_mem>>)
    %dma_start3A_7 = arith.constant 0 : i32
    %dma_start3A_8 = tpu.memref_slice %arg7[%dma_start3A_7] : memref<10000xi32, #tpu.memory_space<vmem>> -> memref<80xi32, #tpu.memory_space<vmem>>
    %dma_start3A_9 = arith.constant 0 : i32
    %dma_start3A_10 = arith.constant 0 : i32
    %dma_start3A_11 = tpu.memref_slice %arg2[%dma_start3A_9, %dma_start3A_10] : memref<10000x128xf32, #tpu.memory_space<hbm>> -> memref<10000x128xf32, #tpu.memory_space<hbm>>
    tpu.enqueue_indirect_dma source(%dma_start3A_11 : memref<10000x128xf32, #tpu.memory_space<hbm>>) target(%arg10 : memref<80x128xf32, #tpu.memory_space<vmem>>) offsets(%dma_start3A_8 : memref<80xi32, #tpu.memory_space<vmem>>) semaphore(%arg16 : memref<!tpu.dma_semaphore, #tpu.memory_space<semaphore_mem>>)
    %scan3A = arith.constant 0 : i32
    %scan3A_12 = arith.constant 124 : i32
    %scan3A_13 = arith.addi %scan3A, %scan3A_12 : i32
    %scan3A_14 = arith.constant 1 : i32
    scf.for %scan3A_45 = %scan3A to %scan3A_13 step %scan3A_14  : i32 {
      %mul3A_46 = arith.constant 1 : i32
      %mul3A_47 = arith.muli %scan3A_45, %mul3A_46 : i32
      %add3A_48 = arith.constant 0 : i32
      %add3A_49 = arith.addi %add3A_48, %mul3A_47 : i32
      %add3A_50 = arith.constant 1 : i32
      %add3A_51 = arith.addi %add3A_49, %add3A_50 : i32
      %rem3A = arith.constant 2 : i32
      %rem3A_52 = arith.remsi %add3A_51, %rem3A : i32
      %eq3A = arith.constant 0 : i32
      %eq3A_53 = arith.cmpi eq, %rem3A_52, %eq3A : i32
      %convert_element_type3A = arith.extui %eq3A_53 : i1 to i32
      %cond3A = arith.constant 0 : i32
      %cond3A_54 = arith.cmpi ne, %convert_element_type3A, %cond3A : i32
      scf.if %cond3A_54 {
        %add3A_72 = arith.constant 1 : i32
        %add3A_73 = arith.addi %add3A_49, %add3A_72 : i32
        %mul3A_74 = arith.constant 80 : i32
        %mul3A_75 = arith.muli %add3A_73, %mul3A_74 : i32
        %dma_start3A_76 = tpu.memref_slice %arg6[%mul3A_75] : memref<10000xi32, #tpu.memory_space<vmem>> -> memref<80xi32, #tpu.memory_space<vmem>>
        %dma_start3A_77 = arith.constant 0 : i32
        %dma_start3A_78 = arith.constant 0 : i32
        %dma_start3A_79 = tpu.memref_slice %arg2[%dma_start3A_77, %dma_start3A_78] : memref<10000x128xf32, #tpu.memory_space<hbm>> -> memref<10000x128xf32, #tpu.memory_space<hbm>>
        tpu.enqueue_indirect_dma source(%dma_start3A_79 : memref<10000x128xf32, #tpu.memory_space<hbm>>) target(%arg8 : memref<80x128xf32, #tpu.memory_space<vmem>>) offsets(%dma_start3A_76 : memref<80xi32, #tpu.memory_space<vmem>>) semaphore(%arg14 : memref<!tpu.dma_semaphore, #tpu.memory_space<semaphore_mem>>)
        %dma_start3A_80 = tpu.memref_slice %arg7[%mul3A_75] : memref<10000xi32, #tpu.memory_space<vmem>> -> memref<80xi32, #tpu.memory_space<vmem>>
        %dma_start3A_81 = arith.constant 0 : i32
        %dma_start3A_82 = arith.constant 0 : i32
        %dma_start3A_83 = tpu.memref_slice %arg2[%dma_start3A_81, %dma_start3A_82] : memref<10000x128xf32, #tpu.memory_space<hbm>> -> memref<10000x128xf32, #tpu.memory_space<hbm>>
        tpu.enqueue_indirect_dma source(%dma_start3A_83 : memref<10000x128xf32, #tpu.memory_space<hbm>>) target(%arg10 : memref<80x128xf32, #tpu.memory_space<vmem>>) offsets(%dma_start3A_80 : memref<80xi32, #tpu.memory_space<vmem>>) semaphore(%arg16 : memref<!tpu.dma_semaphore, #tpu.memory_space<semaphore_mem>>)
      } else {
      }
      %eq3A_55 = arith.constant 1 : i32
      %eq3A_56 = arith.cmpi eq, %rem3A_52, %eq3A_55 : i32
      %convert_element_type3A_57 = arith.extui %eq3A_56 : i1 to i32
      %cond3A_58 = arith.constant 0 : i32
      %cond3A_59 = arith.cmpi ne, %convert_element_type3A_57, %cond3A_58 : i32
      scf.if %cond3A_59 {
        %add3A_72 = arith.constant 1 : i32
        %add3A_73 = arith.addi %add3A_49, %add3A_72 : i32
        %mul3A_74 = arith.constant 80 : i32
        %mul3A_75 = arith.muli %add3A_73, %mul3A_74 : i32
        %dma_start3A_76 = tpu.memref_slice %arg6[%mul3A_75] : memref<10000xi32, #tpu.memory_space<vmem>> -> memref<80xi32, #tpu.memory_space<vmem>>
        %dma_start3A_77 = arith.constant 0 : i32
        %dma_start3A_78 = arith.constant 0 : i32
        %dma_start3A_79 = tpu.memref_slice %arg2[%dma_start3A_77, %dma_start3A_78] : memref<10000x128xf32, #tpu.memory_space<hbm>> -> memref<10000x128xf32, #tpu.memory_space<hbm>>
        tpu.enqueue_indirect_dma source(%dma_start3A_79 : memref<10000x128xf32, #tpu.memory_space<hbm>>) target(%arg9 : memref<80x128xf32, #tpu.memory_space<vmem>>) offsets(%dma_start3A_76 : memref<80xi32, #tpu.memory_space<vmem>>) semaphore(%arg15 : memref<!tpu.dma_semaphore, #tpu.memory_space<semaphore_mem>>)
        %dma_start3A_80 = tpu.memref_slice %arg7[%mul3A_75] : memref<10000xi32, #tpu.memory_space<vmem>> -> memref<80xi32, #tpu.memory_space<vmem>>
        %dma_start3A_81 = arith.constant 0 : i32
        %dma_start3A_82 = arith.constant 0 : i32
        %dma_start3A_83 = tpu.memref_slice %arg2[%dma_start3A_81, %dma_start3A_82] : memref<10000x128xf32, #tpu.memory_space<hbm>> -> memref<10000x128xf32, #tpu.memory_space<hbm>>
        tpu.enqueue_indirect_dma source(%dma_start3A_83 : memref<10000x128xf32, #tpu.memory_space<hbm>>) target(%arg11 : memref<80x128xf32, #tpu.memory_space<vmem>>) offsets(%dma_start3A_80 : memref<80xi32, #tpu.memory_space<vmem>>) semaphore(%arg17 : memref<!tpu.dma_semaphore, #tpu.memory_space<semaphore_mem>>)
      } else {
      }
      %rem3A_60 = arith.constant 2 : i32
      %rem3A_61 = arith.remsi %add3A_49, %rem3A_60 : i32
      %eq3A_62 = arith.constant 0 : i32
      %eq3A_63 = arith.cmpi eq, %rem3A_61, %eq3A_62 : i32
      %convert_element_type3A_64 = arith.extui %eq3A_63 : i1 to i32
      %cond3A_65 = arith.constant 0 : i32
      %cond3A_66 = arith.cmpi ne, %convert_element_type3A_64, %cond3A_65 : i32
      scf.if %cond3A_66 {
        %ge3A = arith.constant 2 : i32
        %ge3A_72 = arith.cmpi sge, %add3A_49, %ge3A : i32
        %convert_element_type3A_73 = arith.extui %ge3A_72 : i1 to i32
        %cond3A_74 = arith.constant 0 : i32
        %cond3A_75 = arith.cmpi ne, %convert_element_type3A_73, %cond3A_74 : i32
        scf.if %cond3A_75 {
          %dma_wait3A_96 = arith.constant 0 : i32
          %dma_wait3A_97 = tpu.memref_slice %arg5[%mul3A_2, %dma_wait3A_96] : memref<320000x128xf32, #tpu.memory_space<hbm>> -> memref<80x128xf32, #tpu.memory_space<hbm>>
          %dma_wait3A_98 = arith.constant 0 : i32
          %dma_wait3A_99 = tpu.memref_slice %arg5[%mul3A_2, %dma_wait3A_98] : memref<320000x128xf32, #tpu.memory_space<hbm>> -> memref<80x128xf32, #tpu.memory_space<hbm>>
          tpu.wait_dma2 semaphore(%arg18 : memref<!tpu.dma_semaphore, #tpu.memory_space<semaphore_mem>>) src(%arg12 : memref<80x128xf32, #tpu.memory_space<vmem>>) dst(%dma_wait3A_99 : memref<80x128xf32, #tpu.memory_space<hbm>>)
        } else {
        }
        %mul3A_76 = arith.constant 80 : i32
        %mul3A_77 = arith.muli %add3A_49, %mul3A_76 : i32
        %dma_wait3A_78 = tpu.memref_slice %arg6[%mul3A_77] : memref<10000xi32, #tpu.memory_space<vmem>> -> memref<80xi32, #tpu.memory_space<vmem>>
        %dma_wait3A_79 = arith.constant 0 : i32
        %dma_wait3A_80 = arith.constant 0 : i32
        %dma_wait3A_81 = tpu.memref_slice %arg2[%dma_wait3A_79, %dma_wait3A_80] : memref<10000x128xf32, #tpu.memory_space<hbm>> -> memref<10000x128xf32, #tpu.memory_space<hbm>>
        tpu.wait_indirect_dma semaphore(%arg14 : memref<!tpu.dma_semaphore, #tpu.memory_space<semaphore_mem>>) src(%dma_wait3A_81 : memref<10000x128xf32, #tpu.memory_space<hbm>>) dst(%arg8 : memref<80x128xf32, #tpu.memory_space<vmem>>)
        %dma_wait3A_82 = tpu.memref_slice %arg7[%mul3A_77] : memref<10000xi32, #tpu.memory_space<vmem>> -> memref<80xi32, #tpu.memory_space<vmem>>
        %dma_wait3A_83 = arith.constant 0 : i32
        %dma_wait3A_84 = arith.constant 0 : i32
        %dma_wait3A_85 = tpu.memref_slice %arg2[%dma_wait3A_83, %dma_wait3A_84] : memref<10000x128xf32, #tpu.memory_space<hbm>> -> memref<10000x128xf32, #tpu.memory_space<hbm>>
        tpu.wait_indirect_dma semaphore(%arg16 : memref<!tpu.dma_semaphore, #tpu.memory_space<semaphore_mem>>) src(%dma_wait3A_85 : memref<10000x128xf32, #tpu.memory_space<hbm>>) dst(%arg10 : memref<80x128xf32, #tpu.memory_space<vmem>>)
        %parallel_loop3A_86 = arith.constant 0 : i32
        %parallel_loop3A_87 = arith.constant 640 : i32
        %parallel_loop3A_88 = arith.constant 1 : i32
        scf.for %parallel_loop3A_96 = %parallel_loop3A_86 to %parallel_loop3A_87 step %parallel_loop3A_88  : i32 {
          %parallel_loop3A_97 = arith.constant 3 : i32
          %parallel_loop3A_98 = arith.shrui %parallel_loop3A_96, %parallel_loop3A_97 : i32
          %parallel_loop3A_99 = arith.constant 7 : i32
          %parallel_loop3A_100 = arith.andi %parallel_loop3A_96, %parallel_loop3A_99 : i32
          %parallel_loop3A_101 = arith.constant 4 : i32
          %parallel_loop3A_102 = arith.shli %parallel_loop3A_100, %parallel_loop3A_101 : i32
          %parallel_loop3A_103 = arith.index_cast %parallel_loop3A_98 : i32 to index
          %parallel_loop3A_104 = arith.index_cast %parallel_loop3A_102 : i32 to index
          %parallel_loop3A_105 = tpu.vector_load %arg8[%parallel_loop3A_103, %parallel_loop3A_104] {strides = array<i32>} : memref<80x128xf32, #tpu.memory_space<vmem>>, vector<1x16xf32>,
          %parallel_loop3A_106 = vector.shape_cast %parallel_loop3A_105 : vector<1x16xf32> to vector<16xf32>
          %parallel_loop3A_107 = arith.index_cast %parallel_loop3A_98 : i32 to index
          %parallel_loop3A_108 = arith.index_cast %parallel_loop3A_102 : i32 to index
          %parallel_loop3A_109 = tpu.vector_load %arg10[%parallel_loop3A_107, %parallel_loop3A_108] {strides = array<i32>} : memref<80x128xf32, #tpu.memory_space<vmem>>, vector<1x16xf32>,
          %parallel_loop3A_110 = vector.shape_cast %parallel_loop3A_109 : vector<1x16xf32> to vector<16xf32>
          %parallel_loop3A_111 = arith.addf %parallel_loop3A_106, %parallel_loop3A_110 : vector<16xf32>
          %parallel_loop3A_112 = arith.index_cast %parallel_loop3A_98 : i32 to index
          %parallel_loop3A_113 = arith.index_cast %parallel_loop3A_102 : i32 to index
          %parallel_loop3A_114 = tpu.vector_load %arg12[%parallel_loop3A_112, %parallel_loop3A_113] {strides = array<i32>} : memref<80x128xf32, #tpu.memory_space<vmem>>, vector<1x16xf32>,
          %parallel_loop3A_115 = vector.shape_cast %parallel_loop3A_114 : vector<1x16xf32> to vector<16xf32>
          %parallel_loop3A_116 = vector.shape_cast %parallel_loop3A_111 : vector<16xf32> to vector<1x16xf32>
          tpu.vector_store %arg12[%parallel_loop3A_112, %parallel_loop3A_113], %parallel_loop3A_116 {strides = array<i32>} : memref<80x128xf32, #tpu.memory_space<vmem>>, vector<1x16xf32>,
        } {sc.loop_unroll_factor = 8 : i64, sc.parallel_access}
        %mul3A_89 = arith.constant 80 : i32
        %mul3A_90 = arith.muli %add3A_49, %mul3A_89 : i32
        %add3A_91 = arith.addi %mul3A_2, %mul3A_90 : i32
        %dma_start3A_92 = arith.constant 0 : i32
        %dma_start3A_93 = tpu.memref_slice %arg5[%add3A_91, %dma_start3A_92] : memref<320000x128xf32, #tpu.memory_space<hbm>> -> memref<80x128xf32, #tpu.memory_space<hbm>>
        %dma_start3A_94 = arith.constant 0 : i32
        %dma_start3A_95 = tpu.memref_slice %arg5[%add3A_91, %dma_start3A_94] : memref<320000x128xf32, #tpu.memory_space<hbm>> -> memref<80x128xf32, #tpu.memory_space<hbm>>
        tpu.enqueue_dma source(%arg12 : memref<80x128xf32, #tpu.memory_space<vmem>>) target(%dma_start3A_95 : memref<80x128xf32, #tpu.memory_space<hbm>>) target_semaphore(%arg18 : memref<!tpu.dma_semaphore, #tpu.memory_space<semaphore_mem>>)
      } else {
      }
      %eq3A_67 = arith.constant 1 : i32
      %eq3A_68 = arith.cmpi eq, %rem3A_61, %eq3A_67 : i32
      %convert_element_type3A_69 = arith.extui %eq3A_68 : i1 to i32
      %cond3A_70 = arith.constant 0 : i32
      %cond3A_71 = arith.cmpi ne, %convert_element_type3A_69, %cond3A_70 : i32
      scf.if %cond3A_71 {
        %ge3A = arith.constant 2 : i32
        %ge3A_72 = arith.cmpi sge, %add3A_49, %ge3A : i32
        %convert_element_type3A_73 = arith.extui %ge3A_72 : i1 to i32
        %cond3A_74 = arith.constant 0 : i32
        %cond3A_75 = arith.cmpi ne, %convert_element_type3A_73, %cond3A_74 : i32
        scf.if %cond3A_75 {
          %dma_wait3A_96 = arith.constant 0 : i32
          %dma_wait3A_97 = tpu.memref_slice %arg5[%mul3A_2, %dma_wait3A_96] : memref<320000x128xf32, #tpu.memory_space<hbm>> -> memref<80x128xf32, #tpu.memory_space<hbm>>
          %dma_wait3A_98 = arith.constant 0 : i32
          %dma_wait3A_99 = tpu.memref_slice %arg5[%mul3A_2, %dma_wait3A_98] : memref<320000x128xf32, #tpu.memory_space<hbm>> -> memref<80x128xf32, #tpu.memory_space<hbm>>
          tpu.wait_dma2 semaphore(%arg19 : memref<!tpu.dma_semaphore, #tpu.memory_space<semaphore_mem>>) src(%arg13 : memref<80x128xf32, #tpu.memory_space<vmem>>) dst(%dma_wait3A_99 : memref<80x128xf32, #tpu.memory_space<hbm>>)
        } else {
        }
        %mul3A_76 = arith.constant 80 : i32
        %mul3A_77 = arith.muli %add3A_49, %mul3A_76 : i32
        %dma_wait3A_78 = tpu.memref_slice %arg6[%mul3A_77] : memref<10000xi32, #tpu.memory_space<vmem>> -> memref<80xi32, #tpu.memory_space<vmem>>
        %dma_wait3A_79 = arith.constant 0 : i32
        %dma_wait3A_80 = arith.constant 0 : i32
        %dma_wait3A_81 = tpu.memref_slice %arg2[%dma_wait3A_79, %dma_wait3A_80] : memref<10000x128xf32, #tpu.memory_space<hbm>> -> memref<10000x128xf32, #tpu.memory_space<hbm>>
        tpu.wait_indirect_dma semaphore(%arg15 : memref<!tpu.dma_semaphore, #tpu.memory_space<semaphore_mem>>) src(%dma_wait3A_81 : memref<10000x128xf32, #tpu.memory_space<hbm>>) dst(%arg9 : memref<80x128xf32, #tpu.memory_space<vmem>>)
        %dma_wait3A_82 = tpu.memref_slice %arg7[%mul3A_77] : memref<10000xi32, #tpu.memory_space<vmem>> -> memref<80xi32, #tpu.memory_space<vmem>>
        %dma_wait3A_83 = arith.constant 0 : i32
        %dma_wait3A_84 = arith.constant 0 : i32
        %dma_wait3A_85 = tpu.memref_slice %arg2[%dma_wait3A_83, %dma_wait3A_84] : memref<10000x128xf32, #tpu.memory_space<hbm>> -> memref<10000x128xf32, #tpu.memory_space<hbm>>
        tpu.wait_indirect_dma semaphore(%arg17 : memref<!tpu.dma_semaphore, #tpu.memory_space<semaphore_mem>>) src(%dma_wait3A_85 : memref<10000x128xf32, #tpu.memory_space<hbm>>) dst(%arg11 : memref<80x128xf32, #tpu.memory_space<vmem>>)
        %parallel_loop3A_86 = arith.constant 0 : i32
        %parallel_loop3A_87 = arith.constant 640 : i32
        %parallel_loop3A_88 = arith.constant 1 : i32
        scf.for %parallel_loop3A_96 = %parallel_loop3A_86 to %parallel_loop3A_87 step %parallel_loop3A_88  : i32 {
          %parallel_loop3A_97 = arith.constant 3 : i32
          %parallel_loop3A_98 = arith.shrui %parallel_loop3A_96, %parallel_loop3A_97 : i32
          %parallel_loop3A_99 = arith.constant 7 : i32
          %parallel_loop3A_100 = arith.andi %parallel_loop3A_96, %parallel_loop3A_99 : i32
          %parallel_loop3A_101 = arith.constant 4 : i32
          %parallel_loop3A_102 = arith.shli %parallel_loop3A_100, %parallel_loop3A_101 : i32
          %parallel_loop3A_103 = arith.index_cast %parallel_loop3A_98 : i32 to index
          %parallel_loop3A_104 = arith.index_cast %parallel_loop3A_102 : i32 to index
          %parallel_loop3A_105 = tpu.vector_load %arg9[%parallel_loop3A_103, %parallel_loop3A_104] {strides = array<i32>} : memref<80x128xf32, #tpu.memory_space<vmem>>, vector<1x16xf32>,
          %parallel_loop3A_106 = vector.shape_cast %parallel_loop3A_105 : vector<1x16xf32> to vector<16xf32>
          %parallel_loop3A_107 = arith.index_cast %parallel_loop3A_98 : i32 to index
          %parallel_loop3A_108 = arith.index_cast %parallel_loop3A_102 : i32 to index
          %parallel_loop3A_109 = tpu.vector_load %arg11[%parallel_loop3A_107, %parallel_loop3A_108] {strides = array<i32>} : memref<80x128xf32, #tpu.memory_space<vmem>>, vector<1x16xf32>,
          %parallel_loop3A_110 = vector.shape_cast %parallel_loop3A_109 : vector<1x16xf32> to vector<16xf32>
          %parallel_loop3A_111 = arith.addf %parallel_loop3A_106, %parallel_loop3A_110 : vector<16xf32>
          %parallel_loop3A_112 = arith.index_cast %parallel_loop3A_98 : i32 to index
          %parallel_loop3A_113 = arith.index_cast %parallel_loop3A_102 : i32 to index
          %parallel_loop3A_114 = tpu.vector_load %arg13[%parallel_loop3A_112, %parallel_loop3A_113] {strides = array<i32>} : memref<80x128xf32, #tpu.memory_space<vmem>>, vector<1x16xf32>,
          %parallel_loop3A_115 = vector.shape_cast %parallel_loop3A_114 : vector<1x16xf32> to vector<16xf32>
          %parallel_loop3A_116 = vector.shape_cast %parallel_loop3A_111 : vector<16xf32> to vector<1x16xf32>
          tpu.vector_store %arg13[%parallel_loop3A_112, %parallel_loop3A_113], %parallel_loop3A_116 {strides = array<i32>} : memref<80x128xf32, #tpu.memory_space<vmem>>, vector<1x16xf32>,
        } {sc.loop_unroll_factor = 8 : i64, sc.parallel_access}
        %mul3A_89 = arith.constant 80 : i32
        %mul3A_90 = arith.muli %add3A_49, %mul3A_89 : i32
        %add3A_91 = arith.addi %mul3A_2, %mul3A_90 : i32
        %dma_start3A_92 = arith.constant 0 : i32
        %dma_start3A_93 = tpu.memref_slice %arg5[%add3A_91, %dma_start3A_92] : memref<320000x128xf32, #tpu.memory_space<hbm>> -> memref<80x128xf32, #tpu.memory_space<hbm>>
        %dma_start3A_94 = arith.constant 0 : i32
        %dma_start3A_95 = tpu.memref_slice %arg5[%add3A_91, %dma_start3A_94] : memref<320000x128xf32, #tpu.memory_space<hbm>> -> memref<80x128xf32, #tpu.memory_space<hbm>>
        tpu.enqueue_dma source(%arg13 : memref<80x128xf32, #tpu.memory_space<vmem>>) target(%dma_start3A_95 : memref<80x128xf32, #tpu.memory_space<hbm>>) target_semaphore(%arg19 : memref<!tpu.dma_semaphore, #tpu.memory_space<semaphore_mem>>)
      } else {
      }
    }
    %scan3A_15 = arith.constant 124 : i32
    %dma_wait3A = arith.constant 0 : i32
    %dma_wait3A_16 = tpu.memref_slice %arg5[%mul3A_2, %dma_wait3A] : memref<320000x128xf32, #tpu.memory_space<hbm>> -> memref<80x128xf32, #tpu.memory_space<hbm>>
    %dma_wait3A_17 = arith.constant 0 : i32
    %dma_wait3A_18 = tpu.memref_slice %arg5[%mul3A_2, %dma_wait3A_17] : memref<320000x128xf32, #tpu.memory_space<hbm>> -> memref<80x128xf32, #tpu.memory_space<hbm>>
    tpu.wait_dma2 semaphore(%arg18 : memref<!tpu.dma_semaphore, #tpu.memory_space<semaphore_mem>>) src(%arg12 : memref<80x128xf32, #tpu.memory_space<vmem>>) dst(%dma_wait3A_18 : memref<80x128xf32, #tpu.memory_space<hbm>>)
    %dma_wait3A_19 = arith.constant 9920 : i32
    %dma_wait3A_20 = tpu.memref_slice %arg6[%dma_wait3A_19] : memref<10000xi32, #tpu.memory_space<vmem>> -> memref<80xi32, #tpu.memory_space<vmem>>
    %dma_wait3A_21 = arith.constant 0 : i32
    %dma_wait3A_22 = arith.constant 0 : i32
    %dma_wait3A_23 = tpu.memref_slice %arg2[%dma_wait3A_21, %dma_wait3A_22] : memref<10000x128xf32, #tpu.memory_space<hbm>> -> memref<10000x128xf32, #tpu.memory_space<hbm>>
    tpu.wait_indirect_dma semaphore(%arg14 : memref<!tpu.dma_semaphore, #tpu.memory_space<semaphore_mem>>) src(%dma_wait3A_23 : memref<10000x128xf32, #tpu.memory_space<hbm>>) dst(%arg8 : memref<80x128xf32, #tpu.memory_space<vmem>>)
    %dma_wait3A_24 = arith.constant 9920 : i32
    %dma_wait3A_25 = tpu.memref_slice %arg7[%dma_wait3A_24] : memref<10000xi32, #tpu.memory_space<vmem>> -> memref<80xi32, #tpu.memory_space<vmem>>
    %dma_wait3A_26 = arith.constant 0 : i32
    %dma_wait3A_27 = arith.constant 0 : i32
    %dma_wait3A_28 = tpu.memref_slice %arg2[%dma_wait3A_26, %dma_wait3A_27] : memref<10000x128xf32, #tpu.memory_space<hbm>> -> memref<10000x128xf32, #tpu.memory_space<hbm>>
    tpu.wait_indirect_dma semaphore(%arg16 : memref<!tpu.dma_semaphore, #tpu.memory_space<semaphore_mem>>) src(%dma_wait3A_28 : memref<10000x128xf32, #tpu.memory_space<hbm>>) dst(%arg10 : memref<80x128xf32, #tpu.memory_space<vmem>>)
    %parallel_loop3A = arith.constant 0 : i32
    %parallel_loop3A_29 = arith.constant 640 : i32
    %parallel_loop3A_30 = arith.constant 1 : i32
    scf.for %parallel_loop3A_45 = %parallel_loop3A to %parallel_loop3A_29 step %parallel_loop3A_30  : i32 {
      %parallel_loop3A_46 = arith.constant 3 : i32
      %parallel_loop3A_47 = arith.shrui %parallel_loop3A_45, %parallel_loop3A_46 : i32
      %parallel_loop3A_48 = arith.constant 7 : i32
      %parallel_loop3A_49 = arith.andi %parallel_loop3A_45, %parallel_loop3A_48 : i32
      %parallel_loop3A_50 = arith.constant 4 : i32
      %parallel_loop3A_51 = arith.shli %parallel_loop3A_49, %parallel_loop3A_50 : i32
      %parallel_loop3A_52 = arith.index_cast %parallel_loop3A_47 : i32 to index
      %parallel_loop3A_53 = arith.index_cast %parallel_loop3A_51 : i32 to index
      %parallel_loop3A_54 = tpu.vector_load %arg8[%parallel_loop3A_52, %parallel_loop3A_53] {strides = array<i32>} : memref<80x128xf32, #tpu.memory_space<vmem>>, vector<1x16xf32>,
      %parallel_loop3A_55 = vector.shape_cast %parallel_loop3A_54 : vector<1x16xf32> to vector<16xf32>
      %parallel_loop3A_56 = arith.index_cast %parallel_loop3A_47 : i32 to index
      %parallel_loop3A_57 = arith.index_cast %parallel_loop3A_51 : i32 to index
      %parallel_loop3A_58 = tpu.vector_load %arg10[%parallel_loop3A_56, %parallel_loop3A_57] {strides = array<i32>} : memref<80x128xf32, #tpu.memory_space<vmem>>, vector<1x16xf32>,
      %parallel_loop3A_59 = vector.shape_cast %parallel_loop3A_58 : vector<1x16xf32> to vector<16xf32>
      %parallel_loop3A_60 = arith.addf %parallel_loop3A_55, %parallel_loop3A_59 : vector<16xf32>
      %parallel_loop3A_61 = arith.index_cast %parallel_loop3A_47 : i32 to index
      %parallel_loop3A_62 = arith.index_cast %parallel_loop3A_51 : i32 to index
      %parallel_loop3A_63 = tpu.vector_load %arg12[%parallel_loop3A_61, %parallel_loop3A_62] {strides = array<i32>} : memref<80x128xf32, #tpu.memory_space<vmem>>, vector<1x16xf32>,
      %parallel_loop3A_64 = vector.shape_cast %parallel_loop3A_63 : vector<1x16xf32> to vector<16xf32>
      %parallel_loop3A_65 = vector.shape_cast %parallel_loop3A_60 : vector<16xf32> to vector<1x16xf32>
      tpu.vector_store %arg12[%parallel_loop3A_61, %parallel_loop3A_62], %parallel_loop3A_65 {strides = array<i32>} : memref<80x128xf32, #tpu.memory_space<vmem>>, vector<1x16xf32>,
    } {sc.loop_unroll_factor = 8 : i64, sc.parallel_access}
    %add3A_31 = arith.constant 9920 : i32
    %add3A_32 = arith.addi %mul3A_2, %add3A_31 : i32
    %dma_start3A_33 = arith.constant 0 : i32
    %dma_start3A_34 = tpu.memref_slice %arg5[%add3A_32, %dma_start3A_33] : memref<320000x128xf32, #tpu.memory_space<hbm>> -> memref<80x128xf32, #tpu.memory_space<hbm>>
    %dma_start3A_35 = arith.constant 0 : i32
    %dma_start3A_36 = tpu.memref_slice %arg5[%add3A_32, %dma_start3A_35] : memref<320000x128xf32, #tpu.memory_space<hbm>> -> memref<80x128xf32, #tpu.memory_space<hbm>>
    tpu.enqueue_dma source(%arg12 : memref<80x128xf32, #tpu.memory_space<vmem>>) target(%dma_start3A_36 : memref<80x128xf32, #tpu.memory_space<hbm>>) target_semaphore(%arg18 : memref<!tpu.dma_semaphore, #tpu.memory_space<semaphore_mem>>)
    %dma_wait3A_37 = arith.constant 0 : i32
    %dma_wait3A_38 = tpu.memref_slice %arg5[%mul3A_2, %dma_wait3A_37] : memref<320000x128xf32, #tpu.memory_space<hbm>> -> memref<80x128xf32, #tpu.memory_space<hbm>>
    %dma_wait3A_39 = arith.constant 0 : i32
    %dma_wait3A_40 = tpu.memref_slice %arg5[%mul3A_2, %dma_wait3A_39] : memref<320000x128xf32, #tpu.memory_space<hbm>> -> memref<80x128xf32, #tpu.memory_space<hbm>>
    tpu.wait_dma2 semaphore(%arg18 : memref<!tpu.dma_semaphore, #tpu.memory_space<semaphore_mem>>) src(%arg12 : memref<80x128xf32, #tpu.memory_space<vmem>>) dst(%dma_wait3A_40 : memref<80x128xf32, #tpu.memory_space<hbm>>)
    %dma_wait3A_41 = arith.constant 0 : i32
    %dma_wait3A_42 = tpu.memref_slice %arg5[%mul3A_2, %dma_wait3A_41] : memref<320000x128xf32, #tpu.memory_space<hbm>> -> memref<80x128xf32, #tpu.memory_space<hbm>>
    %dma_wait3A_43 = arith.constant 0 : i32
    %dma_wait3A_44 = tpu.memref_slice %arg5[%mul3A_2, %dma_wait3A_43] : memref<320000x128xf32, #tpu.memory_space<hbm>> -> memref<80x128xf32, #tpu.memory_space<hbm>>
    tpu.wait_dma2 semaphore(%arg19 : memref<!tpu.dma_semaphore, #tpu.memory_space<semaphore_mem>>) src(%arg13 : memref<80x128xf32, #tpu.memory_space<vmem>>) dst(%dma_wait3A_44 : memref<80x128xf32, #tpu.memory_space<hbm>>)
    return
  }
}

#map = affine_map<(d0, d1) -> (0, 0)>
#map1 = affine_map<(d0, d1) -> (0)>
#map2 = affine_map<(d0, d1) -> (0, 0, 0)>
module attributes {stable_mosaic.version = 14 : i64} {
  func.func @scatter_k(%arg0: i32, %arg1: i32, %arg2: memref<320000x128xf32, #tpu.memory_space<hbm>>, %arg3: memref<320000xi32, #tpu.memory_space<hbm>>, %arg4: memref<2x10000x128xf32, #tpu.memory_space<hbm>>, %arg5: memref<32x10000xf32, #tpu.memory_space<hbm>>, %arg6: memref<10000x128xf32, #tpu.memory_space<vmem_shared>>, %arg7: memref<80x128xf32, #tpu.memory_space<vmem>>, %arg8: memref<80x128xf32, #tpu.memory_space<vmem>>, %arg9: memref<80x128xf32, #tpu.memory_space<vmem>>, %arg10: memref<80xi32, #tpu.memory_space<vmem>>, %arg11: memref<80xi32, #tpu.memory_space<vmem>>, %arg12: memref<80xi32, #tpu.memory_space<vmem>>, %arg13: memref<10000xf32, #tpu.memory_space<vmem>>, %arg14: memref<40x128xf32, #tpu.memory_space<vmem>>, %arg15: memref<!tpu.dma_semaphore, #tpu.memory_space<semaphore_mem>>, %arg16: memref<!tpu.dma_semaphore, #tpu.memory_space<semaphore_mem>>, %arg17: memref<!tpu.dma_semaphore, #tpu.memory_space<semaphore_mem>>, %arg18: memref<!tpu.dma_semaphore, #tpu.memory_space<semaphore_mem>>, %arg19: memref<!tpu.dma_semaphore, #tpu.memory_space<semaphore_mem>>, %arg20: memref<!tpu.dma_semaphore, #tpu.memory_space<semaphore_mem>>, %arg21: memref<!tpu.dma_semaphore, #tpu.memory_space<semaphore_mem>>, %arg22: memref<!tpu.dma_semaphore, #tpu.memory_space<semaphore_mem>>, %arg23: memref<!tpu.dma_semaphore, #tpu.memory_space<semaphore_mem>>) attributes {dimension_semantics = [#tpu.dimension_semantics<core_parallel>, #tpu.dimension_semantics<subcore_parallel>], iteration_bounds = array<i64: 2, 16>, scalar_prefetch = 0 : i64, scratch_operands = 18 : i64, tpu.core_type = #tpu.core_type<sc_vector_subcore>, window_params = [{transform_indices = #map}, {transform_indices = #map1}, {transform_indices = #map2}, {transform_indices = #map}]} {
    %mul3A = arith.constant 16 : i32
    %mul3A_0 = arith.muli %arg0, %mul3A : i32
    %add3A = arith.addi %mul3A_0, %arg1 : i32
    %scan3A = arith.constant 0 : i32
    %scan3A_1 = arith.constant 40 : i32
    %scan3A_2 = arith.addi %scan3A, %scan3A_1 : i32
    %scan3A_3 = arith.constant 1 : i32
    scf.for %scan3A_62 = %scan3A to %scan3A_2 step %scan3A_3  : i32 {
      %mul3A_63 = arith.constant 1 : i32
      %mul3A_64 = arith.muli %scan3A_62, %mul3A_63 : i32
      %add3A_65 = arith.constant 0 : i32
      %add3A_66 = arith.addi %add3A_65, %mul3A_64 : i32
      %scan3A_67 = arith.constant 0 : i32
      %scan3A_68 = arith.constant 8 : i32
      %scan3A_69 = arith.addi %scan3A_67, %scan3A_68 : i32
      %scan3A_70 = arith.constant 1 : i32
      scf.for %scan3A_72 = %scan3A_67 to %scan3A_69 step %scan3A_70  : i32 {
        %mul3A_73 = arith.constant 1 : i32
        %mul3A_74 = arith.muli %scan3A_72, %mul3A_73 : i32
        %add3A_75 = arith.constant 0 : i32
        %add3A_76 = arith.addi %add3A_75, %mul3A_74 : i32
        %broadcast_in_dim3A_77 = arith.constant 0.000000e+00 : f32
        %broadcast_in_dim3A_78 = vector.broadcast %broadcast_in_dim3A_77 : f32 to vector<16xf32>
        %mul3A_79 = arith.constant 16 : i32
        %mul3A_80 = arith.muli %add3A_76, %mul3A_79 : i32
        %swap3A = arith.index_cast %add3A_66 : i32 to index
        %swap3A_81 = arith.index_cast %mul3A_80 : i32 to index
        %swap3A_82 = tpu.vector_load %arg14[%swap3A, %swap3A_81] {strides = array<i32>} : memref<40x128xf32, #tpu.memory_space<vmem>>, vector<16xf32>,
        tpu.vector_store %arg14[%swap3A, %swap3A_81], %broadcast_in_dim3A_78 {strides = array<i32>} : memref<40x128xf32, #tpu.memory_space<vmem>>, vector<16xf32>,
      }
      %scan3A_71 = arith.constant 8 : i32
    }
    %scan3A_4 = arith.constant 40 : i32
    %scan3A_5 = arith.constant 0 : i32
    %scan3A_6 = arith.constant 625 : i32
    %scan3A_7 = arith.addi %scan3A_5, %scan3A_6 : i32
    %scan3A_8 = arith.constant 1 : i32
    scf.for %scan3A_62 = %scan3A_5 to %scan3A_7 step %scan3A_8  : i32 {
      %mul3A_63 = arith.constant 1 : i32
      %mul3A_64 = arith.muli %scan3A_62, %mul3A_63 : i32
      %add3A_65 = arith.constant 0 : i32
      %add3A_66 = arith.addi %add3A_65, %mul3A_64 : i32
      %broadcast_in_dim3A_67 = arith.constant 0.000000e+00 : f32
      %broadcast_in_dim3A_68 = vector.broadcast %broadcast_in_dim3A_67 : f32 to vector<16xf32>
      %mul3A_69 = arith.constant 16 : i32
      %mul3A_70 = arith.muli %add3A_66, %mul3A_69 : i32
      %swap3A = arith.index_cast %mul3A_70 : i32 to index
      %swap3A_71 = tpu.vector_load %arg13[%swap3A] {strides = array<i32>} : memref<10000xf32, #tpu.memory_space<vmem>>, vector<16xf32>,
      tpu.vector_store %arg13[%swap3A], %broadcast_in_dim3A_68 {strides = array<i32>} : memref<10000xf32, #tpu.memory_space<vmem>>, vector<16xf32>,
    }
    %scan3A_9 = arith.constant 625 : i32
    %scan3A_10 = arith.constant 0 : i32
    %scan3A_11 = arith.constant 250 : i32
    %scan3A_12 = arith.addi %scan3A_10, %scan3A_11 : i32
    %scan3A_13 = arith.constant 1 : i32
    scf.for %scan3A_62 = %scan3A_10 to %scan3A_12 step %scan3A_13  : i32 {
      %mul3A_63 = arith.constant 1 : i32
      %mul3A_64 = arith.muli %scan3A_62, %mul3A_63 : i32
      %add3A_65 = arith.constant 0 : i32
      %add3A_66 = arith.addi %add3A_65, %mul3A_64 : i32
      %rem3A = arith.constant 16 : i32
      %rem3A_67 = arith.remsi %add3A_66, %rem3A : i32
      %eq3A = arith.cmpi eq, %rem3A_67, %arg1 : i32
      %convert_element_type3A = arith.extui %eq3A : i1 to i32
      %cond3A = arith.constant 0 : i32
      %cond3A_68 = arith.cmpi ne, %convert_element_type3A, %cond3A : i32
      scf.if %cond3A_68 {
        %mul3A_69 = arith.constant 40 : i32
        %mul3A_70 = arith.muli %add3A_66, %mul3A_69 : i32
        "tpu.region"() ({
          %run_scoped3A = tpu.sem_alloc : memref<!tpu.dma_semaphore, #tpu.memory_space<semaphore_mem>>
          %dma_start3A_71 = arith.constant 0 : i32
          %dma_start3A_72 = tpu.memref_slice %arg6[%mul3A_70, %dma_start3A_71] : memref<10000x128xf32, #tpu.memory_space<vmem_shared>> -> memref<40x128xf32, #tpu.memory_space<vmem_shared>>
          %dma_start3A_73 = arith.constant 0 : i32
          %dma_start3A_74 = tpu.memref_slice %arg6[%mul3A_70, %dma_start3A_73] : memref<10000x128xf32, #tpu.memory_space<vmem_shared>> -> memref<40x128xf32, #tpu.memory_space<vmem_shared>>
          tpu.enqueue_dma source(%arg14 : memref<40x128xf32, #tpu.memory_space<vmem>>) target(%dma_start3A_74 : memref<40x128xf32, #tpu.memory_space<vmem_shared>>) target_semaphore(%run_scoped3A : memref<!tpu.dma_semaphore, #tpu.memory_space<semaphore_mem>>)
          %dma_wait3A_75 = arith.constant 0 : i32
          %dma_wait3A_76 = tpu.memref_slice %arg6[%mul3A_70, %dma_wait3A_75] : memref<10000x128xf32, #tpu.memory_space<vmem_shared>> -> memref<40x128xf32, #tpu.memory_space<vmem_shared>>
          %dma_wait3A_77 = arith.constant 0 : i32
          %dma_wait3A_78 = tpu.memref_slice %arg6[%mul3A_70, %dma_wait3A_77] : memref<10000x128xf32, #tpu.memory_space<vmem_shared>> -> memref<40x128xf32, #tpu.memory_space<vmem_shared>>
          tpu.wait_dma2 semaphore(%run_scoped3A : memref<!tpu.dma_semaphore, #tpu.memory_space<semaphore_mem>>) src(%arg14 : memref<40x128xf32, #tpu.memory_space<vmem>>) dst(%dma_wait3A_78 : memref<40x128xf32, #tpu.memory_space<vmem_shared>>)
          tpu.yield
        }) : () -> ()
      } else {
      }
    }
    %scan3A_14 = arith.constant 250 : i32
    %barrier3A = arith.constant 0 : index
    tpu.barrier barrier_id(%barrier3A)
    %mul3A_15 = arith.constant 10000 : i32
    %mul3A_16 = arith.muli %add3A, %mul3A_15 : i32
    %broadcast_in_dim3A = arith.constant 1.000000e+00 : f32
    %broadcast_in_dim3A_17 = vector.broadcast %broadcast_in_dim3A : f32 to vector<16xf32>
    %add3A_18 = arith.constant 0 : i32
    %add3A_19 = arith.addi %mul3A_16, %add3A_18 : i32
    %dma_start3A = tpu.memref_slice %arg3[%add3A_19] : memref<320000xi32, #tpu.memory_space<hbm>> -> memref<80xi32, #tpu.memory_space<hbm>>
    %dma_start3A_20 = tpu.memref_slice %arg3[%add3A_19] : memref<320000xi32, #tpu.memory_space<hbm>> -> memref<80xi32, #tpu.memory_space<hbm>>
    tpu.enqueue_dma source(%dma_start3A_20 : memref<80xi32, #tpu.memory_space<hbm>>) target(%arg10 : memref<80xi32, #tpu.memory_space<vmem>>) target_semaphore(%arg15 : memref<!tpu.dma_semaphore, #tpu.memory_space<semaphore_mem>>)
    %dma_start3A_21 = arith.constant 0 : i32
    %dma_start3A_22 = tpu.memref_slice %arg2[%add3A_19, %dma_start3A_21] : memref<320000x128xf32, #tpu.memory_space<hbm>> -> memref<80x128xf32, #tpu.memory_space<hbm>>
    %dma_start3A_23 = arith.constant 0 : i32
    %dma_start3A_24 = tpu.memref_slice %arg2[%add3A_19, %dma_start3A_23] : memref<320000x128xf32, #tpu.memory_space<hbm>> -> memref<80x128xf32, #tpu.memory_space<hbm>>
    tpu.enqueue_dma source(%dma_start3A_24 : memref<80x128xf32, #tpu.memory_space<hbm>>) target(%arg7 : memref<80x128xf32, #tpu.memory_space<vmem>>) target_semaphore(%arg18 : memref<!tpu.dma_semaphore, #tpu.memory_space<semaphore_mem>>)
    %scan3A_25 = arith.constant 0 : i32
    %scan3A_26 = arith.constant 124 : i32
    %scan3A_27 = arith.addi %scan3A_25, %scan3A_26 : i32
    %scan3A_28 = arith.constant 1 : i32
    scf.for %scan3A_62 = %scan3A_25 to %scan3A_27 step %scan3A_28  : i32 {
      %mul3A_63 = arith.constant 1 : i32
      %mul3A_64 = arith.muli %scan3A_62, %mul3A_63 : i32
      %add3A_65 = arith.constant 0 : i32
      %add3A_66 = arith.addi %add3A_65, %mul3A_64 : i32
      %add3A_67 = arith.constant 1 : i32
      %add3A_68 = arith.addi %add3A_66, %add3A_67 : i32
      %rem3A = arith.constant 3 : i32
      %rem3A_69 = arith.remsi %add3A_68, %rem3A : i32
      %eq3A = arith.constant 0 : i32
      %eq3A_70 = arith.cmpi eq, %rem3A_69, %eq3A : i32
      %convert_element_type3A = arith.extui %eq3A_70 : i1 to i32
      %cond3A = arith.constant 0 : i32
      %cond3A_71 = arith.cmpi ne, %convert_element_type3A, %cond3A : i32
      scf.if %cond3A_71 {
        %ge3A = arith.constant 2 : i32
        %ge3A_99 = arith.cmpi sge, %add3A_66, %ge3A : i32
        %convert_element_type3A_100 = arith.extui %ge3A_99 : i1 to i32
        %cond3A_101 = arith.constant 0 : i32
        %cond3A_102 = arith.cmpi ne, %convert_element_type3A_100, %cond3A_101 : i32
        scf.if %cond3A_102 {
          %dma_wait3A_114 = arith.constant 0 : i32
          %dma_wait3A_115 = arith.constant 0 : i32
          %dma_wait3A_116 = tpu.memref_slice %arg6[%dma_wait3A_114, %dma_wait3A_115] : memref<10000x128xf32, #tpu.memory_space<vmem_shared>> -> memref<10000x128xf32, #tpu.memory_space<vmem_shared>>
          tpu.wait_indirect_dma semaphore(%arg21 : memref<!tpu.dma_semaphore, #tpu.memory_space<semaphore_mem>>) src(%arg7 : memref<80x128xf32, #tpu.memory_space<vmem>>) dst(%dma_wait3A_116 : memref<10000x128xf32, #tpu.memory_space<vmem_shared>>)
        } else {
        }
        %add3A_103 = arith.constant 1 : i32
        %add3A_104 = arith.addi %add3A_66, %add3A_103 : i32
        %mul3A_105 = arith.constant 80 : i32
        %mul3A_106 = arith.muli %add3A_104, %mul3A_105 : i32
        %add3A_107 = arith.addi %mul3A_16, %mul3A_106 : i32
        %dma_start3A_108 = tpu.memref_slice %arg3[%add3A_107] : memref<320000xi32, #tpu.memory_space<hbm>> -> memref<80xi32, #tpu.memory_space<hbm>>
        %dma_start3A_109 = tpu.memref_slice %arg3[%add3A_107] : memref<320000xi32, #tpu.memory_space<hbm>> -> memref<80xi32, #tpu.memory_space<hbm>>
        tpu.enqueue_dma source(%dma_start3A_109 : memref<80xi32, #tpu.memory_space<hbm>>) target(%arg10 : memref<80xi32, #tpu.memory_space<vmem>>) target_semaphore(%arg15 : memref<!tpu.dma_semaphore, #tpu.memory_space<semaphore_mem>>)
        %dma_start3A_110 = arith.constant 0 : i32
        %dma_start3A_111 = tpu.memref_slice %arg2[%add3A_107, %dma_start3A_110] : memref<320000x128xf32, #tpu.memory_space<hbm>> -> memref<80x128xf32, #tpu.memory_space<hbm>>
        %dma_start3A_112 = arith.constant 0 : i32
        %dma_start3A_113 = tpu.memref_slice %arg2[%add3A_107, %dma_start3A_112] : memref<320000x128xf32, #tpu.memory_space<hbm>> -> memref<80x128xf32, #tpu.memory_space<hbm>>
        tpu.enqueue_dma source(%dma_start3A_113 : memref<80x128xf32, #tpu.memory_space<hbm>>) target(%arg7 : memref<80x128xf32, #tpu.memory_space<vmem>>) target_semaphore(%arg18 : memref<!tpu.dma_semaphore, #tpu.memory_space<semaphore_mem>>)
      } else {
      }
      %eq3A_72 = arith.constant 1 : i32
      %eq3A_73 = arith.cmpi eq, %rem3A_69, %eq3A_72 : i32
      %convert_element_type3A_74 = arith.extui %eq3A_73 : i1 to i32
      %cond3A_75 = arith.constant 0 : i32
      %cond3A_76 = arith.cmpi ne, %convert_element_type3A_74, %cond3A_75 : i32
      scf.if %cond3A_76 {
        %ge3A = arith.constant 2 : i32
        %ge3A_99 = arith.cmpi sge, %add3A_66, %ge3A : i32
        %convert_element_type3A_100 = arith.extui %ge3A_99 : i1 to i32
        %cond3A_101 = arith.constant 0 : i32
        %cond3A_102 = arith.cmpi ne, %convert_element_type3A_100, %cond3A_101 : i32
        scf.if %cond3A_102 {
          %dma_wait3A_114 = arith.constant 0 : i32
          %dma_wait3A_115 = arith.constant 0 : i32
          %dma_wait3A_116 = tpu.memref_slice %arg6[%dma_wait3A_114, %dma_wait3A_115] : memref<10000x128xf32, #tpu.memory_space<vmem_shared>> -> memref<10000x128xf32, #tpu.memory_space<vmem_shared>>
          tpu.wait_indirect_dma semaphore(%arg22 : memref<!tpu.dma_semaphore, #tpu.memory_space<semaphore_mem>>) src(%arg8 : memref<80x128xf32, #tpu.memory_space<vmem>>) dst(%dma_wait3A_116 : memref<10000x128xf32, #tpu.memory_space<vmem_shared>>)
        } else {
        }
        %add3A_103 = arith.constant 1 : i32
        %add3A_104 = arith.addi %add3A_66, %add3A_103 : i32
        %mul3A_105 = arith.constant 80 : i32
        %mul3A_106 = arith.muli %add3A_104, %mul3A_105 : i32
        %add3A_107 = arith.addi %mul3A_16, %mul3A_106 : i32
        %dma_start3A_108 = tpu.memref_slice %arg3[%add3A_107] : memref<320000xi32, #tpu.memory_space<hbm>> -> memref<80xi32, #tpu.memory_space<hbm>>
        %dma_start3A_109 = tpu.memref_slice %arg3[%add3A_107] : memref<320000xi32, #tpu.memory_space<hbm>> -> memref<80xi32, #tpu.memory_space<hbm>>
        tpu.enqueue_dma source(%dma_start3A_109 : memref<80xi32, #tpu.memory_space<hbm>>) target(%arg11 : memref<80xi32, #tpu.memory_space<vmem>>) target_semaphore(%arg16 : memref<!tpu.dma_semaphore, #tpu.memory_space<semaphore_mem>>)
        %dma_start3A_110 = arith.constant 0 : i32
        %dma_start3A_111 = tpu.memref_slice %arg2[%add3A_107, %dma_start3A_110] : memref<320000x128xf32, #tpu.memory_space<hbm>> -> memref<80x128xf32, #tpu.memory_space<hbm>>
        %dma_start3A_112 = arith.constant 0 : i32
        %dma_start3A_113 = tpu.memref_slice %arg2[%add3A_107, %dma_start3A_112] : memref<320000x128xf32, #tpu.memory_space<hbm>> -> memref<80x128xf32, #tpu.memory_space<hbm>>
        tpu.enqueue_dma source(%dma_start3A_113 : memref<80x128xf32, #tpu.memory_space<hbm>>) target(%arg8 : memref<80x128xf32, #tpu.memory_space<vmem>>) target_semaphore(%arg19 : memref<!tpu.dma_semaphore, #tpu.memory_space<semaphore_mem>>)
      } else {
      }
      %eq3A_77 = arith.constant 2 : i32
      %eq3A_78 = arith.cmpi eq, %rem3A_69, %eq3A_77 : i32
      %convert_element_type3A_79 = arith.extui %eq3A_78 : i1 to i32
      %cond3A_80 = arith.constant 0 : i32
      %cond3A_81 = arith.cmpi ne, %convert_element_type3A_79, %cond3A_80 : i32
      scf.if %cond3A_81 {
        %ge3A = arith.constant 2 : i32
        %ge3A_99 = arith.cmpi sge, %add3A_66, %ge3A : i32
        %convert_element_type3A_100 = arith.extui %ge3A_99 : i1 to i32
        %cond3A_101 = arith.constant 0 : i32
        %cond3A_102 = arith.cmpi ne, %convert_element_type3A_100, %cond3A_101 : i32
        scf.if %cond3A_102 {
          %dma_wait3A_114 = arith.constant 0 : i32
          %dma_wait3A_115 = arith.constant 0 : i32
          %dma_wait3A_116 = tpu.memref_slice %arg6[%dma_wait3A_114, %dma_wait3A_115] : memref<10000x128xf32, #tpu.memory_space<vmem_shared>> -> memref<10000x128xf32, #tpu.memory_space<vmem_shared>>
          tpu.wait_indirect_dma semaphore(%arg23 : memref<!tpu.dma_semaphore, #tpu.memory_space<semaphore_mem>>) src(%arg9 : memref<80x128xf32, #tpu.memory_space<vmem>>) dst(%dma_wait3A_116 : memref<10000x128xf32, #tpu.memory_space<vmem_shared>>)
        } else {
        }
        %add3A_103 = arith.constant 1 : i32
        %add3A_104 = arith.addi %add3A_66, %add3A_103 : i32
        %mul3A_105 = arith.constant 80 : i32
        %mul3A_106 = arith.muli %add3A_104, %mul3A_105 : i32
        %add3A_107 = arith.addi %mul3A_16, %mul3A_106 : i32
        %dma_start3A_108 = tpu.memref_slice %arg3[%add3A_107] : memref<320000xi32, #tpu.memory_space<hbm>> -> memref<80xi32, #tpu.memory_space<hbm>>
        %dma_start3A_109 = tpu.memref_slice %arg3[%add3A_107] : memref<320000xi32, #tpu.memory_space<hbm>> -> memref<80xi32, #tpu.memory_space<hbm>>
        tpu.enqueue_dma source(%dma_start3A_109 : memref<80xi32, #tpu.memory_space<hbm>>) target(%arg12 : memref<80xi32, #tpu.memory_space<vmem>>) target_semaphore(%arg17 : memref<!tpu.dma_semaphore, #tpu.memory_space<semaphore_mem>>)
        %dma_start3A_110 = arith.constant 0 : i32
        %dma_start3A_111 = tpu.memref_slice %arg2[%add3A_107, %dma_start3A_110] : memref<320000x128xf32, #tpu.memory_space<hbm>> -> memref<80x128xf32, #tpu.memory_space<hbm>>
        %dma_start3A_112 = arith.constant 0 : i32
        %dma_start3A_113 = tpu.memref_slice %arg2[%add3A_107, %dma_start3A_112] : memref<320000x128xf32, #tpu.memory_space<hbm>> -> memref<80x128xf32, #tpu.memory_space<hbm>>
        tpu.enqueue_dma source(%dma_start3A_113 : memref<80x128xf32, #tpu.memory_space<hbm>>) target(%arg9 : memref<80x128xf32, #tpu.memory_space<vmem>>) target_semaphore(%arg20 : memref<!tpu.dma_semaphore, #tpu.memory_space<semaphore_mem>>)
      } else {
      }
      %rem3A_82 = arith.constant 3 : i32
      %rem3A_83 = arith.remsi %add3A_66, %rem3A_82 : i32
      %eq3A_84 = arith.constant 0 : i32
      %eq3A_85 = arith.cmpi eq, %rem3A_83, %eq3A_84 : i32
      %convert_element_type3A_86 = arith.extui %eq3A_85 : i1 to i32
      %cond3A_87 = arith.constant 0 : i32
      %cond3A_88 = arith.cmpi ne, %convert_element_type3A_86, %cond3A_87 : i32
      scf.if %cond3A_88 {
        %dma_wait3A_99 = tpu.memref_slice %arg3[%mul3A_16] : memref<320000xi32, #tpu.memory_space<hbm>> -> memref<80xi32, #tpu.memory_space<hbm>>
        %dma_wait3A_100 = tpu.memref_slice %arg3[%mul3A_16] : memref<320000xi32, #tpu.memory_space<hbm>> -> memref<80xi32, #tpu.memory_space<hbm>>
        tpu.wait_dma2 semaphore(%arg15 : memref<!tpu.dma_semaphore, #tpu.memory_space<semaphore_mem>>) src(%dma_wait3A_100 : memref<80xi32, #tpu.memory_space<hbm>>) dst(%arg10 : memref<80xi32, #tpu.memory_space<vmem>>)
        %dma_wait3A_101 = arith.constant 0 : i32
        %dma_wait3A_102 = tpu.memref_slice %arg2[%mul3A_16, %dma_wait3A_101] : memref<320000x128xf32, #tpu.memory_space<hbm>> -> memref<80x128xf32, #tpu.memory_space<hbm>>
        %dma_wait3A_103 = arith.constant 0 : i32
        %dma_wait3A_104 = tpu.memref_slice %arg2[%mul3A_16, %dma_wait3A_103] : memref<320000x128xf32, #tpu.memory_space<hbm>> -> memref<80x128xf32, #tpu.memory_space<hbm>>
        tpu.wait_dma2 semaphore(%arg18 : memref<!tpu.dma_semaphore, #tpu.memory_space<semaphore_mem>>) src(%dma_wait3A_104 : memref<80x128xf32, #tpu.memory_space<hbm>>) dst(%arg7 : memref<80x128xf32, #tpu.memory_space<vmem>>)
        %dma_start3A_105 = arith.constant 0 : i32
        %dma_start3A_106 = arith.constant 0 : i32
        %dma_start3A_107 = tpu.memref_slice %arg6[%dma_start3A_105, %dma_start3A_106] : memref<10000x128xf32, #tpu.memory_space<vmem_shared>> -> memref<10000x128xf32, #tpu.memory_space<vmem_shared>>
        tpu.enqueue_indirect_dma source(%arg7 : memref<80x128xf32, #tpu.memory_space<vmem>>) target(%dma_start3A_107 : memref<10000x128xf32, #tpu.memory_space<vmem_shared>>) offsets(%arg10 : memref<80xi32, #tpu.memory_space<vmem>>) semaphore(%arg21 : memref<!tpu.dma_semaphore, #tpu.memory_space<semaphore_mem>>) {add = true}
        %get3A_108 = arith.constant 0 : index
        %get3A_109 = tpu.vector_load %arg10[%get3A_108] {strides = array<i32>} : memref<80xi32, #tpu.memory_space<vmem>>, vector<16xi32>,
        tpu.vector_store_idx %arg13[%get3A_109], %broadcast_in_dim3A_17 {add = true} : memref<10000xf32, #tpu.memory_space<vmem>>[vector<16xi32>], vector<16xf32>,
        %get3A_110 = arith.constant 16 : index
        %get3A_111 = tpu.vector_load %arg10[%get3A_110] {strides = array<i32>} : memref<80xi32, #tpu.memory_space<vmem>>, vector<16xi32>,
        tpu.vector_store_idx %arg13[%get3A_111], %broadcast_in_dim3A_17 {add = true} : memref<10000xf32, #tpu.memory_space<vmem>>[vector<16xi32>], vector<16xf32>,
        %get3A_112 = arith.constant 32 : index
        %get3A_113 = tpu.vector_load %arg10[%get3A_112] {strides = array<i32>} : memref<80xi32, #tpu.memory_space<vmem>>, vector<16xi32>,
        tpu.vector_store_idx %arg13[%get3A_113], %broadcast_in_dim3A_17 {add = true} : memref<10000xf32, #tpu.memory_space<vmem>>[vector<16xi32>], vector<16xf32>,
        %get3A_114 = arith.constant 48 : index
        %get3A_115 = tpu.vector_load %arg10[%get3A_114] {strides = array<i32>} : memref<80xi32, #tpu.memory_space<vmem>>, vector<16xi32>,
        tpu.vector_store_idx %arg13[%get3A_115], %broadcast_in_dim3A_17 {add = true} : memref<10000xf32, #tpu.memory_space<vmem>>[vector<16xi32>], vector<16xf32>,
        %get3A_116 = arith.constant 64 : index
        %get3A_117 = tpu.vector_load %arg10[%get3A_116] {strides = array<i32>} : memref<80xi32, #tpu.memory_space<vmem>>, vector<16xi32>,
        tpu.vector_store_idx %arg13[%get3A_117], %broadcast_in_dim3A_17 {add = true} : memref<10000xf32, #tpu.memory_space<vmem>>[vector<16xi32>], vector<16xf32>,
      } else {
      }
      %eq3A_89 = arith.constant 1 : i32
      %eq3A_90 = arith.cmpi eq, %rem3A_83, %eq3A_89 : i32
      %convert_element_type3A_91 = arith.extui %eq3A_90 : i1 to i32
      %cond3A_92 = arith.constant 0 : i32
      %cond3A_93 = arith.cmpi ne, %convert_element_type3A_91, %cond3A_92 : i32
      scf.if %cond3A_93 {
        %dma_wait3A_99 = tpu.memref_slice %arg3[%mul3A_16] : memref<320000xi32, #tpu.memory_space<hbm>> -> memref<80xi32, #tpu.memory_space<hbm>>
        %dma_wait3A_100 = tpu.memref_slice %arg3[%mul3A_16] : memref<320000xi32, #tpu.memory_space<hbm>> -> memref<80xi32, #tpu.memory_space<hbm>>
        tpu.wait_dma2 semaphore(%arg16 : memref<!tpu.dma_semaphore, #tpu.memory_space<semaphore_mem>>) src(%dma_wait3A_100 : memref<80xi32, #tpu.memory_space<hbm>>) dst(%arg11 : memref<80xi32, #tpu.memory_space<vmem>>)
        %dma_wait3A_101 = arith.constant 0 : i32
        %dma_wait3A_102 = tpu.memref_slice %arg2[%mul3A_16, %dma_wait3A_101] : memref<320000x128xf32, #tpu.memory_space<hbm>> -> memref<80x128xf32, #tpu.memory_space<hbm>>
        %dma_wait3A_103 = arith.constant 0 : i32
        %dma_wait3A_104 = tpu.memref_slice %arg2[%mul3A_16, %dma_wait3A_103] : memref<320000x128xf32, #tpu.memory_space<hbm>> -> memref<80x128xf32, #tpu.memory_space<hbm>>
        tpu.wait_dma2 semaphore(%arg19 : memref<!tpu.dma_semaphore, #tpu.memory_space<semaphore_mem>>) src(%dma_wait3A_104 : memref<80x128xf32, #tpu.memory_space<hbm>>) dst(%arg8 : memref<80x128xf32, #tpu.memory_space<vmem>>)
        %dma_start3A_105 = arith.constant 0 : i32
        %dma_start3A_106 = arith.constant 0 : i32
        %dma_start3A_107 = tpu.memref_slice %arg6[%dma_start3A_105, %dma_start3A_106] : memref<10000x128xf32, #tpu.memory_space<vmem_shared>> -> memref<10000x128xf32, #tpu.memory_space<vmem_shared>>
        tpu.enqueue_indirect_dma source(%arg8 : memref<80x128xf32, #tpu.memory_space<vmem>>) target(%dma_start3A_107 : memref<10000x128xf32, #tpu.memory_space<vmem_shared>>) offsets(%arg11 : memref<80xi32, #tpu.memory_space<vmem>>) semaphore(%arg22 : memref<!tpu.dma_semaphore, #tpu.memory_space<semaphore_mem>>) {add = true}
        %get3A_108 = arith.constant 0 : index
        %get3A_109 = tpu.vector_load %arg11[%get3A_108] {strides = array<i32>} : memref<80xi32, #tpu.memory_space<vmem>>, vector<16xi32>,
        tpu.vector_store_idx %arg13[%get3A_109], %broadcast_in_dim3A_17 {add = true} : memref<10000xf32, #tpu.memory_space<vmem>>[vector<16xi32>], vector<16xf32>,
        %get3A_110 = arith.constant 16 : index
        %get3A_111 = tpu.vector_load %arg11[%get3A_110] {strides = array<i32>} : memref<80xi32, #tpu.memory_space<vmem>>, vector<16xi32>,
        tpu.vector_store_idx %arg13[%get3A_111], %broadcast_in_dim3A_17 {add = true} : memref<10000xf32, #tpu.memory_space<vmem>>[vector<16xi32>], vector<16xf32>,
        %get3A_112 = arith.constant 32 : index
        %get3A_113 = tpu.vector_load %arg11[%get3A_112] {strides = array<i32>} : memref<80xi32, #tpu.memory_space<vmem>>, vector<16xi32>,
        tpu.vector_store_idx %arg13[%get3A_113], %broadcast_in_dim3A_17 {add = true} : memref<10000xf32, #tpu.memory_space<vmem>>[vector<16xi32>], vector<16xf32>,
        %get3A_114 = arith.constant 48 : index
        %get3A_115 = tpu.vector_load %arg11[%get3A_114] {strides = array<i32>} : memref<80xi32, #tpu.memory_space<vmem>>, vector<16xi32>,
        tpu.vector_store_idx %arg13[%get3A_115], %broadcast_in_dim3A_17 {add = true} : memref<10000xf32, #tpu.memory_space<vmem>>[vector<16xi32>], vector<16xf32>,
        %get3A_116 = arith.constant 64 : index
        %get3A_117 = tpu.vector_load %arg11[%get3A_116] {strides = array<i32>} : memref<80xi32, #tpu.memory_space<vmem>>, vector<16xi32>,
        tpu.vector_store_idx %arg13[%get3A_117], %broadcast_in_dim3A_17 {add = true} : memref<10000xf32, #tpu.memory_space<vmem>>[vector<16xi32>], vector<16xf32>,
      } else {
      }
      %eq3A_94 = arith.constant 2 : i32
      %eq3A_95 = arith.cmpi eq, %rem3A_83, %eq3A_94 : i32
      %convert_element_type3A_96 = arith.extui %eq3A_95 : i1 to i32
      %cond3A_97 = arith.constant 0 : i32
      %cond3A_98 = arith.cmpi ne, %convert_element_type3A_96, %cond3A_97 : i32
      scf.if %cond3A_98 {
        %dma_wait3A_99 = tpu.memref_slice %arg3[%mul3A_16] : memref<320000xi32, #tpu.memory_space<hbm>> -> memref<80xi32, #tpu.memory_space<hbm>>
        %dma_wait3A_100 = tpu.memref_slice %arg3[%mul3A_16] : memref<320000xi32, #tpu.memory_space<hbm>> -> memref<80xi32, #tpu.memory_space<hbm>>
        tpu.wait_dma2 semaphore(%arg17 : memref<!tpu.dma_semaphore, #tpu.memory_space<semaphore_mem>>) src(%dma_wait3A_100 : memref<80xi32, #tpu.memory_space<hbm>>) dst(%arg12 : memref<80xi32, #tpu.memory_space<vmem>>)
        %dma_wait3A_101 = arith.constant 0 : i32
        %dma_wait3A_102 = tpu.memref_slice %arg2[%mul3A_16, %dma_wait3A_101] : memref<320000x128xf32, #tpu.memory_space<hbm>> -> memref<80x128xf32, #tpu.memory_space<hbm>>
        %dma_wait3A_103 = arith.constant 0 : i32
        %dma_wait3A_104 = tpu.memref_slice %arg2[%mul3A_16, %dma_wait3A_103] : memref<320000x128xf32, #tpu.memory_space<hbm>> -> memref<80x128xf32, #tpu.memory_space<hbm>>
        tpu.wait_dma2 semaphore(%arg20 : memref<!tpu.dma_semaphore, #tpu.memory_space<semaphore_mem>>) src(%dma_wait3A_104 : memref<80x128xf32, #tpu.memory_space<hbm>>) dst(%arg9 : memref<80x128xf32, #tpu.memory_space<vmem>>)
        %dma_start3A_105 = arith.constant 0 : i32
        %dma_start3A_106 = arith.constant 0 : i32
        %dma_start3A_107 = tpu.memref_slice %arg6[%dma_start3A_105, %dma_start3A_106] : memref<10000x128xf32, #tpu.memory_space<vmem_shared>> -> memref<10000x128xf32, #tpu.memory_space<vmem_shared>>
        tpu.enqueue_indirect_dma source(%arg9 : memref<80x128xf32, #tpu.memory_space<vmem>>) target(%dma_start3A_107 : memref<10000x128xf32, #tpu.memory_space<vmem_shared>>) offsets(%arg12 : memref<80xi32, #tpu.memory_space<vmem>>) semaphore(%arg23 : memref<!tpu.dma_semaphore, #tpu.memory_space<semaphore_mem>>) {add = true}
        %get3A_108 = arith.constant 0 : index
        %get3A_109 = tpu.vector_load %arg12[%get3A_108] {strides = array<i32>} : memref<80xi32, #tpu.memory_space<vmem>>, vector<16xi32>,
        tpu.vector_store_idx %arg13[%get3A_109], %broadcast_in_dim3A_17 {add = true} : memref<10000xf32, #tpu.memory_space<vmem>>[vector<16xi32>], vector<16xf32>,
        %get3A_110 = arith.constant 16 : index
        %get3A_111 = tpu.vector_load %arg12[%get3A_110] {strides = array<i32>} : memref<80xi32, #tpu.memory_space<vmem>>, vector<16xi32>,
        tpu.vector_store_idx %arg13[%get3A_111], %broadcast_in_dim3A_17 {add = true} : memref<10000xf32, #tpu.memory_space<vmem>>[vector<16xi32>], vector<16xf32>,
        %get3A_112 = arith.constant 32 : index
        %get3A_113 = tpu.vector_load %arg12[%get3A_112] {strides = array<i32>} : memref<80xi32, #tpu.memory_space<vmem>>, vector<16xi32>,
        tpu.vector_store_idx %arg13[%get3A_113], %broadcast_in_dim3A_17 {add = true} : memref<10000xf32, #tpu.memory_space<vmem>>[vector<16xi32>], vector<16xf32>,
        %get3A_114 = arith.constant 48 : index
        %get3A_115 = tpu.vector_load %arg12[%get3A_114] {strides = array<i32>} : memref<80xi32, #tpu.memory_space<vmem>>, vector<16xi32>,
        tpu.vector_store_idx %arg13[%get3A_115], %broadcast_in_dim3A_17 {add = true} : memref<10000xf32, #tpu.memory_space<vmem>>[vector<16xi32>], vector<16xf32>,
        %get3A_116 = arith.constant 64 : index
        %get3A_117 = tpu.vector_load %arg12[%get3A_116] {strides = array<i32>} : memref<80xi32, #tpu.memory_space<vmem>>, vector<16xi32>,
        tpu.vector_store_idx %arg13[%get3A_117], %broadcast_in_dim3A_17 {add = true} : memref<10000xf32, #tpu.memory_space<vmem>>[vector<16xi32>], vector<16xf32>,
      } else {
      }
    }
    %scan3A_29 = arith.constant 124 : i32
    %dma_wait3A = tpu.memref_slice %arg3[%mul3A_16] : memref<320000xi32, #tpu.memory_space<hbm>> -> memref<80xi32, #tpu.memory_space<hbm>>
    %dma_wait3A_30 = tpu.memref_slice %arg3[%mul3A_16] : memref<320000xi32, #tpu.memory_space<hbm>> -> memref<80xi32, #tpu.memory_space<hbm>>
    tpu.wait_dma2 semaphore(%arg16 : memref<!tpu.dma_semaphore, #tpu.memory_space<semaphore_mem>>) src(%dma_wait3A_30 : memref<80xi32, #tpu.memory_space<hbm>>) dst(%arg11 : memref<80xi32, #tpu.memory_space<vmem>>)
    %dma_wait3A_31 = arith.constant 0 : i32
    %dma_wait3A_32 = tpu.memref_slice %arg2[%mul3A_16, %dma_wait3A_31] : memref<320000x128xf32, #tpu.memory_space<hbm>> -> memref<80x128xf32, #tpu.memory_space<hbm>>
    %dma_wait3A_33 = arith.constant 0 : i32
    %dma_wait3A_34 = tpu.memref_slice %arg2[%mul3A_16, %dma_wait3A_33] : memref<320000x128xf32, #tpu.memory_space<hbm>> -> memref<80x128xf32, #tpu.memory_space<hbm>>
    tpu.wait_dma2 semaphore(%arg19 : memref<!tpu.dma_semaphore, #tpu.memory_space<semaphore_mem>>) src(%dma_wait3A_34 : memref<80x128xf32, #tpu.memory_space<hbm>>) dst(%arg8 : memref<80x128xf32, #tpu.memory_space<vmem>>)
    %dma_start3A_35 = arith.constant 0 : i32
    %dma_start3A_36 = arith.constant 0 : i32
    %dma_start3A_37 = tpu.memref_slice %arg6[%dma_start3A_35, %dma_start3A_36] : memref<10000x128xf32, #tpu.memory_space<vmem_shared>> -> memref<10000x128xf32, #tpu.memory_space<vmem_shared>>
    tpu.enqueue_indirect_dma source(%arg8 : memref<80x128xf32, #tpu.memory_space<vmem>>) target(%dma_start3A_37 : memref<10000x128xf32, #tpu.memory_space<vmem_shared>>) offsets(%arg11 : memref<80xi32, #tpu.memory_space<vmem>>) semaphore(%arg22 : memref<!tpu.dma_semaphore, #tpu.memory_space<semaphore_mem>>) {add = true}
    %get3A = arith.constant 0 : index
    %get3A_38 = tpu.vector_load %arg11[%get3A] {strides = array<i32>} : memref<80xi32, #tpu.memory_space<vmem>>, vector<16xi32>,
    tpu.vector_store_idx %arg13[%get3A_38], %broadcast_in_dim3A_17 {add = true} : memref<10000xf32, #tpu.memory_space<vmem>>[vector<16xi32>], vector<16xf32>,
    %get3A_39 = arith.constant 16 : index
    %get3A_40 = tpu.vector_load %arg11[%get3A_39] {strides = array<i32>} : memref<80xi32, #tpu.memory_space<vmem>>, vector<16xi32>,
    tpu.vector_store_idx %arg13[%get3A_40], %broadcast_in_dim3A_17 {add = true} : memref<10000xf32, #tpu.memory_space<vmem>>[vector<16xi32>], vector<16xf32>,
    %get3A_41 = arith.constant 32 : index
    %get3A_42 = tpu.vector_load %arg11[%get3A_41] {strides = array<i32>} : memref<80xi32, #tpu.memory_space<vmem>>, vector<16xi32>,
    tpu.vector_store_idx %arg13[%get3A_42], %broadcast_in_dim3A_17 {add = true} : memref<10000xf32, #tpu.memory_space<vmem>>[vector<16xi32>], vector<16xf32>,
    %get3A_43 = arith.constant 48 : index
    %get3A_44 = tpu.vector_load %arg11[%get3A_43] {strides = array<i32>} : memref<80xi32, #tpu.memory_space<vmem>>, vector<16xi32>,
    tpu.vector_store_idx %arg13[%get3A_44], %broadcast_in_dim3A_17 {add = true} : memref<10000xf32, #tpu.memory_space<vmem>>[vector<16xi32>], vector<16xf32>,
    %get3A_45 = arith.constant 64 : index
    %get3A_46 = tpu.vector_load %arg11[%get3A_45] {strides = array<i32>} : memref<80xi32, #tpu.memory_space<vmem>>, vector<16xi32>,
    tpu.vector_store_idx %arg13[%get3A_46], %broadcast_in_dim3A_17 {add = true} : memref<10000xf32, #tpu.memory_space<vmem>>[vector<16xi32>], vector<16xf32>,
    %dma_wait3A_47 = arith.constant 0 : i32
    %dma_wait3A_48 = arith.constant 0 : i32
    %dma_wait3A_49 = tpu.memref_slice %arg6[%dma_wait3A_47, %dma_wait3A_48] : memref<10000x128xf32, #tpu.memory_space<vmem_shared>> -> memref<10000x128xf32, #tpu.memory_space<vmem_shared>>
    tpu.wait_indirect_dma semaphore(%arg21 : memref<!tpu.dma_semaphore, #tpu.memory_space<semaphore_mem>>) src(%arg7 : memref<80x128xf32, #tpu.memory_space<vmem>>) dst(%dma_wait3A_49 : memref<10000x128xf32, #tpu.memory_space<vmem_shared>>)
    %dma_wait3A_50 = arith.constant 0 : i32
    %dma_wait3A_51 = arith.constant 0 : i32
    %dma_wait3A_52 = tpu.memref_slice %arg6[%dma_wait3A_50, %dma_wait3A_51] : memref<10000x128xf32, #tpu.memory_space<vmem_shared>> -> memref<10000x128xf32, #tpu.memory_space<vmem_shared>>
    tpu.wait_indirect_dma semaphore(%arg22 : memref<!tpu.dma_semaphore, #tpu.memory_space<semaphore_mem>>) src(%arg8 : memref<80x128xf32, #tpu.memory_space<vmem>>) dst(%dma_wait3A_52 : memref<10000x128xf32, #tpu.memory_space<vmem_shared>>)
    %dma_wait3A_53 = arith.constant 0 : i32
    %dma_wait3A_54 = arith.constant 0 : i32
    %dma_wait3A_55 = tpu.memref_slice %arg6[%dma_wait3A_53, %dma_wait3A_54] : memref<10000x128xf32, #tpu.memory_space<vmem_shared>> -> memref<10000x128xf32, #tpu.memory_space<vmem_shared>>
    tpu.wait_indirect_dma semaphore(%arg23 : memref<!tpu.dma_semaphore, #tpu.memory_space<semaphore_mem>>) src(%arg9 : memref<80x128xf32, #tpu.memory_space<vmem>>) dst(%dma_wait3A_55 : memref<10000x128xf32, #tpu.memory_space<vmem_shared>>)
    "tpu.region"() ({
      %run_scoped3A = tpu.sem_alloc : memref<!tpu.dma_semaphore, #tpu.memory_space<semaphore_mem>>
      %dma_start3A_62 = arith.constant 0 : i32
      %dma_start3A_63 = tpu.memref_slice %arg5[%add3A, %dma_start3A_62] : memref<32x10000xf32, #tpu.memory_space<hbm>> -> memref<1x10000xf32, #tpu.memory_space<hbm>>
      %dma_start3A_64 = tpu.memref_squeeze %dma_start3A_63 : memref<1x10000xf32, #tpu.memory_space<hbm>> -> memref<10000xf32, #tpu.memory_space<hbm>>
      %dma_start3A_65 = arith.constant 0 : i32
      %dma_start3A_66 = tpu.memref_slice %arg5[%add3A, %dma_start3A_65] : memref<32x10000xf32, #tpu.memory_space<hbm>> -> memref<1x10000xf32, #tpu.memory_space<hbm>>
      %dma_start3A_67 = tpu.memref_squeeze %dma_start3A_66 : memref<1x10000xf32, #tpu.memory_space<hbm>> -> memref<10000xf32, #tpu.memory_space<hbm>>
      tpu.enqueue_dma source(%arg13 : memref<10000xf32, #tpu.memory_space<vmem>>) target(%dma_start3A_67 : memref<10000xf32, #tpu.memory_space<hbm>>) target_semaphore(%run_scoped3A : memref<!tpu.dma_semaphore, #tpu.memory_space<semaphore_mem>>)
      %dma_wait3A_68 = arith.constant 0 : i32
      %dma_wait3A_69 = tpu.memref_slice %arg5[%add3A, %dma_wait3A_68] : memref<32x10000xf32, #tpu.memory_space<hbm>> -> memref<1x10000xf32, #tpu.memory_space<hbm>>
      %dma_wait3A_70 = tpu.memref_squeeze %dma_wait3A_69 : memref<1x10000xf32, #tpu.memory_space<hbm>> -> memref<10000xf32, #tpu.memory_space<hbm>>
      %dma_wait3A_71 = arith.constant 0 : i32
      %dma_wait3A_72 = tpu.memref_slice %arg5[%add3A, %dma_wait3A_71] : memref<32x10000xf32, #tpu.memory_space<hbm>> -> memref<1x10000xf32, #tpu.memory_space<hbm>>
      %dma_wait3A_73 = tpu.memref_squeeze %dma_wait3A_72 : memref<1x10000xf32, #tpu.memory_space<hbm>> -> memref<10000xf32, #tpu.memory_space<hbm>>
      tpu.wait_dma2 semaphore(%run_scoped3A : memref<!tpu.dma_semaphore, #tpu.memory_space<semaphore_mem>>) src(%arg13 : memref<10000xf32, #tpu.memory_space<vmem>>) dst(%dma_wait3A_73 : memref<10000xf32, #tpu.memory_space<hbm>>)
      tpu.yield
    }) : () -> ()
    %barrier3A_56 = arith.constant 0 : index
    tpu.barrier barrier_id(%barrier3A_56)
    %scan3A_57 = arith.constant 0 : i32
    %scan3A_58 = arith.constant 250 : i32
    %scan3A_59 = arith.addi %scan3A_57, %scan3A_58 : i32
    %scan3A_60 = arith.constant 1 : i32
    scf.for %scan3A_62 = %scan3A_57 to %scan3A_59 step %scan3A_60  : i32 {
      %mul3A_63 = arith.constant 1 : i32
      %mul3A_64 = arith.muli %scan3A_62, %mul3A_63 : i32
      %add3A_65 = arith.constant 0 : i32
      %add3A_66 = arith.addi %add3A_65, %mul3A_64 : i32
      %rem3A = arith.constant 16 : i32
      %rem3A_67 = arith.remsi %add3A_66, %rem3A : i32
      %eq3A = arith.cmpi eq, %rem3A_67, %arg1 : i32
      %convert_element_type3A = arith.extui %eq3A : i1 to i32
      %cond3A = arith.constant 0 : i32
      %cond3A_68 = arith.cmpi ne, %convert_element_type3A, %cond3A : i32
      scf.if %cond3A_68 {
        %mul3A_69 = arith.constant 40 : i32
        %mul3A_70 = arith.muli %add3A_66, %mul3A_69 : i32
        "tpu.region"() ({
          %run_scoped3A = tpu.sem_alloc : memref<!tpu.dma_semaphore, #tpu.memory_space<semaphore_mem>>
          %dma_start3A_71 = arith.constant 0 : i32
          %dma_start3A_72 = tpu.memref_slice %arg4[%arg0, %mul3A_70, %dma_start3A_71] : memref<2x10000x128xf32, #tpu.memory_space<hbm>> -> memref<1x40x128xf32, #tpu.memory_space<hbm>>
          %dma_start3A_73 = tpu.memref_squeeze %dma_start3A_72 : memref<1x40x128xf32, #tpu.memory_space<hbm>> -> memref<40x128xf32, #tpu.memory_space<hbm>>
          %dma_start3A_74 = arith.constant 0 : i32
          %dma_start3A_75 = tpu.memref_slice %arg6[%mul3A_70, %dma_start3A_74] : memref<10000x128xf32, #tpu.memory_space<vmem_shared>> -> memref<40x128xf32, #tpu.memory_space<vmem_shared>>
          tpu.enqueue_dma source(%dma_start3A_75 : memref<40x128xf32, #tpu.memory_space<vmem_shared>>) target(%dma_start3A_73 : memref<40x128xf32, #tpu.memory_space<hbm>>) target_semaphore(%run_scoped3A : memref<!tpu.dma_semaphore, #tpu.memory_space<semaphore_mem>>)
          %dma_wait3A_76 = arith.constant 0 : i32
          %dma_wait3A_77 = tpu.memref_slice %arg4[%arg0, %mul3A_70, %dma_wait3A_76] : memref<2x10000x128xf32, #tpu.memory_space<hbm>> -> memref<1x40x128xf32, #tpu.memory_space<hbm>>
          %dma_wait3A_78 = tpu.memref_squeeze %dma_wait3A_77 : memref<1x40x128xf32, #tpu.memory_space<hbm>> -> memref<40x128xf32, #tpu.memory_space<hbm>>
          %dma_wait3A_79 = arith.constant 0 : i32
          %dma_wait3A_80 = tpu.memref_slice %arg6[%mul3A_70, %dma_wait3A_79] : memref<10000x128xf32, #tpu.memory_space<vmem_shared>> -> memref<40x128xf32, #tpu.memory_space<vmem_shared>>
          tpu.wait_dma2 semaphore(%run_scoped3A : memref<!tpu.dma_semaphore, #tpu.memory_space<semaphore_mem>>) src(%dma_wait3A_80 : memref<40x128xf32, #tpu.memory_space<vmem_shared>>) dst(%dma_wait3A_78 : memref<40x128xf32, #tpu.memory_space<hbm>>)
          tpu.yield
        }) : () -> ()
      } else {
      }
    }
    %scan3A_61 = arith.constant 250 : i32
    return
  }
}

module attributes {stable_mosaic.version = 14 : i64} {
  func.func @body(%arg0: memref<2x10000x128xf32, #tpu.memory_space<vmem>>, %arg1: memref<32x10000xf32, #tpu.memory_space<vmem>>, %arg2: memref<10000x128xf32, #tpu.memory_space<vmem>>, %arg3: memref<128x128xf32, #tpu.memory_space<vmem>>, %arg4: memref<1x128xf32, #tpu.memory_space<vmem>>, %arg5: memref<10000x128xf32, #tpu.memory_space<vmem>>) attributes {dimension_semantics = [], scalar_prefetch = 0 : i64, scratch_operands = 0 : i64, tpu.core_type = #tpu.core_type<tc>} {
    %get3A = arith.constant 0 : index
    %get3A_0 = arith.constant 0 : index
    %get3A_1 = vector.load %arg1[%get3A, %get3A_0] : memref<32x10000xf32, #tpu.memory_space<vmem>>, vector<32x10000xf32>
    %reduce_sum3A = arith.constant dense<0.000000e+00> : vector<10000xf32>
    %reduce_sum3A_2 = vector.multi_reduction <add>, %get3A_1, %reduce_sum3A [0] : vector<32x10000xf32> to vector<10000xf32>
    %broadcast_in_dim3A = vector.shape_cast %reduce_sum3A_2 : vector<10000xf32> to vector<10000x1xf32>
    %get3A_3 = arith.constant 0 : index
    %get3A_4 = arith.constant 0 : index
    %get3A_5 = arith.constant 0 : index
    %get3A_6 = vector.load %arg0[%get3A_3, %get3A_4, %get3A_5] : memref<2x10000x128xf32, #tpu.memory_space<vmem>>, vector<1x10000x128xf32>
    %get3A_7 = vector.shape_cast %get3A_6 : vector<1x10000x128xf32> to vector<10000x128xf32>
    %get3A_8 = arith.constant 1 : index
    %get3A_9 = arith.constant 0 : index
    %get3A_10 = arith.constant 0 : index
    %get3A_11 = vector.load %arg0[%get3A_8, %get3A_9, %get3A_10] : memref<2x10000x128xf32, #tpu.memory_space<vmem>>, vector<1x10000x128xf32>
    %get3A_12 = vector.shape_cast %get3A_11 : vector<1x10000x128xf32> to vector<10000x128xf32>
    %add3A = arith.addf %get3A_7, %get3A_12 : vector<10000x128xf32>
    %max3A = arith.constant 1.000000e+00 : f32
    %max3A_13 = vector.broadcast %max3A : f32 to vector<10000x1xf32>
    %max3A_14 = arith.maximumf %broadcast_in_dim3A, %max3A_13 : vector<10000x1xf32>
    %div3A = vector.broadcast %max3A_14 : vector<10000x1xf32> to vector<10000x128xf32>
    %div3A_15 = arith.divf %add3A, %div3A : vector<10000x128xf32>
    %get3A_16 = arith.constant 0 : index
    %get3A_17 = arith.constant 0 : index
    %get3A_18 = vector.load %arg2[%get3A_16, %get3A_17] : memref<10000x128xf32, #tpu.memory_space<vmem>>, vector<10000x128xf32>
    %mul3A = arith.constant 5.000000e-01 : f32
    %mul3A_19 = vector.broadcast %mul3A : f32 to vector<10000x128xf32>
    %mul3A_20 = arith.mulf %mul3A_19, %div3A_15 : vector<10000x128xf32>
    %add3A_21 = arith.addf %get3A_18, %mul3A_20 : vector<10000x128xf32>
    %get3A_22 = arith.constant 0 : index
    %get3A_23 = arith.constant 0 : index
    %get3A_24 = vector.load %arg3[%get3A_22, %get3A_23] : memref<128x128xf32, #tpu.memory_space<vmem>>, vector<128x128xf32>
    %dot_general3A = arith.constant dense<0.000000e+00> : vector<10000x128xf32>
    %dot_general3A_25 = tpu.matmul %add3A_21, %get3A_24, %dot_general3A {dimension_numbers = #tpu.dot_dimension_numbers<[1], [0], [0], [1], [0, 0, 1, 1], [], []>, transpose_lhs_hint = false} : vector<10000x128xf32>, vector<128x128xf32>, vector<10000x128xf32> -> vector<10000x128xf32>
    %get3A_26 = arith.constant 0 : index
    %get3A_27 = arith.constant 0 : index
    %get3A_28 = vector.load %arg4[%get3A_26, %get3A_27] : memref<1x128xf32, #tpu.memory_space<vmem>>, vector<1x128xf32>
    %add3A_29 = vector.broadcast %get3A_28 : vector<1x128xf32> to vector<10000x128xf32>
    %add3A_30 = arith.addf %dot_general3A_25, %add3A_29 : vector<10000x128xf32>
    %neg3A = arith.constant 0.000000e+00 : f32
    %neg3A_31 = vector.broadcast %neg3A : f32 to vector<10000x128xf32>
    %neg3A_32 = arith.subf %neg3A_31, %add3A_30 : vector<10000x128xf32>
    %exp3A = math.exp %neg3A_32 : vector<10000x128xf32>
    %add3A_33 = arith.constant 1.000000e+00 : f32
    %add3A_34 = vector.broadcast %add3A_33 : f32 to vector<10000x128xf32>
    %add3A_35 = arith.addf %add3A_34, %exp3A : vector<10000x128xf32>
    %div3A_36 = arith.constant 5.000000e-01 : f32
    %div3A_37 = vector.broadcast %div3A_36 : f32 to vector<10000x128xf32>
    %div3A_38 = arith.divf %div3A_37, %add3A_35 : vector<10000x128xf32>
    %swap3A = arith.constant 0 : index
    %swap3A_39 = arith.constant 0 : index
    %swap3A_40 = vector.load %arg5[%swap3A, %swap3A_39] : memref<10000x128xf32, #tpu.memory_space<vmem>>, vector<10000x128xf32>
    tpu.vector_store %arg5[%swap3A, %swap3A_39], %div3A_38 {strides = array<i32>} : memref<10000x128xf32, #tpu.memory_space<vmem>>, vector<10000x128xf32>,
    return
  }
}

</mosaic_0001>

<sc_bundles>
// kernel: kernel.5.cloned.1.call-start
scs
__scs_entry_jumppad:
0x0: {  	(pc) =	sbr.rel $0x88, $3  }
0x1: {  	(tag) =	ssettag $0x0;
	lr =	simm.s32 $0x1  }
0x2: {  	[smem:$0x3F9C] =	sst lr;
	_ =	strace $0xD0000000  }
0x3: {  	_ = 	snop  }
0x4: {  	_ = 	snop  }
0x5: {  	_ = 	snop  }
0x6: {  	_ = 	snop  }
0x7: {  	_ = 	snop  }
__scs_overlays_trampoline_lowered:
0x8: {  	[smem:$0x3FAB] =	sst s0  }
0x9: {  	[smem:$0x3FAC] =	sst s1  }
0xa: {  	[smem:$0x3FAD] =	sst s2  }
0xb: {  	[smem:$0x3FAE] =	sst s3  }
0xc: {  	[smem:$0x3FAF] =	sst s4  }
0xd: {  	[smem:$0x3FB0] =	sst s5  }
0xe: {  	[smem:$0x3FB1] =	sst s6  }
0xf: {  	[smem:$0x3FB2] =	sst s7  }
0x10: {  	[smem:$0x3FB3] =	sst s8  }
0x11: {  	[smem:$0x3FB4] =	sst s9;
	s0 =	simm.s32 @!p0 $0x0  }
0x12: {  	s1 =	sld [smem:$0x3F9A];
	s0 =	simm.s32 @p0 $0x1  }
0x13: {  	[smem:$0x3FB5] =	sst s0;
	s0 =	simm.s32 @!p1 $0x0  }
0x14: {  	s2 =	sld [smem:$0x3F99];
	s0 =	simm.s32 @p1 $0x1  }
0x15: {  	[smem:$0x3FB6] =	sst s0;
	s0 =	simm.s32 @!p2 $0x0  }
0x16: {  	s3 =	sld [smem:$0x3FDB];
	s0 =	simm.s32 @p2 $0x1  }
0x17: {  	s4 =	simm.s32 $0x1BF5;
	[smem:$0x3FB8] =	sst s0  }
0x18: {  	s0 =	sld [smem:$0x3F9B];
	_ =	swait.ge [sflag:s4], $0x0  }
0x19: {  	s7 =	sld [smem:$0x3F9C]  }
0x1a: {  	s8 =	sadd.s32 $0xFFFFE003, lr  }
0x1b: {  	s9 =	sadd.s32 $0xFFFFFEF7, lr;
	s5 =	simm.s32 $0xFFFFFFFF;
	p2 =	slt.u32 s8, $0xFFFFF086  }
0x1c: {  	p1 =	slt.u32 s9, $0xF7A;
	s5 =	simm.s32 @!p2 $0x0  }
0x1d: {  	s5 =	simm.s32 @p1 $0x1;
	p0 =	seq.s32 s7, s2  }
0x1e: {  	s7 =	smul.u32 @!p0 $0xF7A, s2;
	p2 =	seq.s32 @!p0 s5, $0x0  }
0x1f: {  	s9 =	smul.u32 $0xF7A, s1;
	s8 =	simm.s32 @!p0 $0x1BF5;
	p2 =	por !p2, p0  }
0x20: {  	[sflag:s8] =	ssyncset.s32 @!p0 $0xFFFFF086;
	s6 =	sadd.s32 @!p0 s3, s7;
	s7 =	simm.s32 @!p0 $0x108  }
0x21: {  	s3 =	sadd.s32 s3, s9;
	s6 =	sadd.s32 @!p0 $0x88, s6;
	s7 =	simm.s32 @p2 $0x1082  }
0x22: {  	[simem:s7], [sflag:s8] =	dma.local @!p0 [hbm:s6], $0xF7A  }
0x23: {  	s9 =	sor.u32 $0xD0000000, s2;
	s6 =	simm.s32 $0x108;
	_ =	swait.ge @!p0 [sflag:s8], $0x0  }
0x24: {  	s3 =	sadd.s32 $0x88, s3;
	s6 =	simm.s32 @!p1 $0x1082;
	[sflag:s4] =	ssyncset.s32 $0xFFFFF086  }
0x25: {  	[simem:s6], [sflag:s4] =	dma.local [hbm:s3], $0xF7A  }
0x26: {  	[smem:$0x3F9C] =	sst s1;
	(tag) =	ssettag s2;
	_ =	strace s9  }
0x27: {  	s1 =	sld [smem:$0x3FAC]  }
0x28: {  	s2 =	sld [smem:$0x3FAD]  }
0x29: {  	s4 =	sld [smem:$0x3FAF]  }
0x2a: {  	p0 =	seq.s32 s5, $0x0;
	s5 =	sld [smem:$0x3FB0]  }
0x2b: {  	s6 =	sld [smem:$0x3FB1]  }
0x2c: {  	s7 =	sld [smem:$0x3FB2]  }
0x2d: {  	s3 =	simm.s32 $0x108;
	s8 =	sld [smem:$0x3FB3]  }
0x2e: {  	s3 =	simm.s32 @!p0 $0x1082;
	s9 =	sld [smem:$0x3FB4]  }
0x2f: {  	lr =	sadd.s32 s0, s3;
	s0 =	sld [smem:$0x3FAB]  }
0x30: {  	s3 =	sld [smem:$0x3FAE]  }
0x31: {  	[smem:$0x3FB7] =	sst s10  }
0x32: {  	s10 =	sld [smem:$0x3FB5];
	_ =	sdelay $0x3  }
0x33: {  	p0 =	seq.s32 s10, $0x1;
	s10 =	sld [smem:$0x3FB7];
	_ =	sdelay $0x3  }
0x34: {  	[smem:$0x3FB7] =	sst s10  }
0x35: {  	s10 =	sld [smem:$0x3FB6];
	_ =	sdelay $0x3  }
0x36: {  	p1 =	seq.s32 s10, $0x1;
	s10 =	sld [smem:$0x3FB7];
	_ =	sdelay $0x3  }
0x37: {  	[smem:$0x3FB7] =	sst s10  }
0x38: {  	s10 =	sld [smem:$0x3FB8]  }
0x39: {  	_ = 	snop;
	(pc) =	sbr.ind lr, $3  }
0x3a: {  	_ = 	snop  }
0x3b: {  	_ = 	snop  }
0x3c: {  	p2 =	seq.s32 s10, $0x1;
	s10 =	sld [smem:$0x3FB7]  }
0x3d: {  	_ =	shalt  }
0x3e: {  	_ =	shalt  }
0x3f: {  	_ =	shalt  }
0x40: {  	_ =	shalt  }
0x41: {  	_ =	shalt  }
0x42: {  	_ =	shalt  }
0x43: {  	_ =	shalt  }
0x44: {  	_ =	shalt  }
0x45: {  	_ =	shalt  }
0x46: {  	_ =	shalt  }
0x47: {  	_ =	shalt  }
0x48: {  	_ =	shalt  }
0x49: {  	_ =	shalt  }
0x4a: {  	_ =	shalt  }
0x4b: {  	_ =	shalt  }
0x4c: {  	_ =	shalt  }
0x4d: {  	_ =	shalt  }
0x4e: {  	_ =	shalt  }
0x4f: {  	_ =	shalt  }
0x50: {  	_ =	shalt  }
0x51: {  	_ =	shalt  }
0x52: {  	_ =	shalt  }
0x53: {  	_ =	shalt  }
0x54: {  	_ =	shalt  }
0x55: {  	_ =	shalt  }
0x56: {  	_ =	shalt  }
0x57: {  	_ =	shalt  }
0x58: {  	_ =	shalt  }
0x59: {  	_ =	shalt  }
0x5a: {  	_ =	shalt  }
0x5b: {  	_ =	shalt  }
0x5c: {  	_ =	shalt  }
0x5d: {  	_ =	shalt  }
0x5e: {  	_ =	shalt  }
0x5f: {  	_ =	shalt  }
0x60: {  	_ =	shalt  }
0x61: {  	_ =	shalt  }
0x62: {  	_ =	shalt  }
0x63: {  	_ =	shalt  }
0x64: {  	_ =	shalt  }
0x65: {  	_ =	shalt  }
0x66: {  	_ =	shalt  }
0x67: {  	_ =	shalt  }
0x68: {  	_ =	shalt  }
0x69: {  	_ =	shalt  }
0x6a: {  	_ =	shalt  }
0x6b: {  	_ =	shalt  }
0x6c: {  	_ =	shalt  }
0x6d: {  	_ =	shalt  }
0x6e: {  	_ =	shalt  }
0x6f: {  	_ =	shalt  }
0x70: {  	_ =	shalt  }
0x71: {  	_ =	shalt  }
0x72: {  	_ =	shalt  }
0x73: {  	_ =	shalt  }
0x74: {  	_ =	shalt  }
0x75: {  	_ =	shalt  }
0x76: {  	_ =	shalt  }
0x77: {  	_ =	shalt  }
0x78: {  	_ =	shalt  }
0x79: {  	_ =	shalt  }
0x7a: {  	_ =	shalt  }
0x7b: {  	_ =	shalt  }
0x7c: {  	_ =	shalt  }
0x7d: {  	_ =	shalt  }
0x7e: {  	_ =	shalt  }
0x7f: {  	_ =	shalt  }
0x80: {  	_ =	shalt  }
0x81: {  	_ =	shalt  }
0x82: {  	_ =	shalt  }
0x83: {  	_ =	shalt  }
0x84: {  	_ =	shalt  }
0x85: {  	_ =	shalt  }
0x86: {  	_ =	shalt  }
0x87: {  	_ =	shalt  }
.Lfunc_end0:
.L_simem_size_0:
called_computation_lowered:
.L_overlay_start_0:
0x88: {  	s2 =	sld [smem:$0x3FD9]  }
0x89: {  	s3 =	sld [smem:$0x3FFE];
	_ =	sdelay $0x1  }
0x8a: {  	s1 =	srdreg.scid  }
0x8b: {  	s0 =	sand.u32 $0x1, s1  }
0x8c: {  	s17 =	sshll.u32 s0, $0xA;
	s2 =	sadd.s32 s3, s2  }
0x8d: {  	s2 =	sadd.s32 s2, s17  }
0x8e: {  	[smem:$0x3FC3] =	sst s2  }
0x8f: {  	_ = 	snop  }
0x90: {  	s2 =	sld [smem:$0x3FC9]  }
0x91: {  	s18 =	sld [smem:$0x3FD0];
	(tm) =	ssettm $0x1  }
0x92: {  	s4 =	sld [smem:$0x3FFB];
	_ =	sdelay $0x3  }
0x93: {  	_ =	strace s4  }
0x94: {  	s4 =	sld [smem:$0x3FFC];
	_ =	sdelay $0x3  }
0x95: {  	_ =	strace s4  }
0x96: {  	s4 =	sld [smem:$0x3FFD];
	_ =	sdelay $0x3  }
0x97: {  	_ =	strace s4  }
0x98: {  	_ =	strace $0x8FFFFFFF  }
0x99: {  	s19 =	sld [smem:$0x3FDB];
	_ =	sdelay $0x1  }
0x9a: {  	s5 =	simm.s32 $_scs_section_size  }
0x9b: {  	s6 =	simm.s32 $_size__tile_overlayer_lowered;
	s7 =	simm.s32 $_tile_overlayer_lowered  }
0x9c: {  	s22 =	simm.s32 $0x1BFF;
	s21 =	sshll.u32 s7, $0x1;
	s4 =	sadd.s32 s5, s19  }
0x9d: {  	s8 =	simm.s32 $0x0;
	s20 =	sshll.u32 s6, $0x1;
	s6 =	sadd.s32 s21, s4  }
0x9e: {  	[timem:s8], [sflag:s22] =	dma.local [hbm:s6], s20  }
0x9f: {  	_ =	swait.ge [sflag:s22], s20  }
0xa0: {  	s5 =	ssub.s32 $0x0, s20;
	[sflag:s22] =	ssyncset.done $0x0  }
0xa1: {  	[sflag:s22] =	ssyncadd.s32 s5;
	_ =	sdelay $0x1  }
0xa2: {  	s23 =	simm.s32 $0x1B8B  }
0xa3: {  	_ =	swait.ge [sflag:s23], $0x1  }
0xa4: {  	[sflag:s23] =	ssyncset.done $0x0  }
0xa5: {  	s25 =	simm.s32 $0x1B8E;
	s24 =	sld [smem:$0x3FFE];
	[sflag:s23] =	ssyncadd.s32 $0xFFFFFFFF  }
0xa6: {  	s26 =	simm.s32 $execute0_lowered;
	[smem:$0x3FD2] =	sst s25  }
0xa7: {  	s6 =	sshll.u32 s26, $0x1;
	_ =	strace $0x80000046;
	[dreg:$0x1] =	wrdreg $0xFFFFFFFF  }
0xa8: {  	s28 =	simm.s32 $_size_execute0_lowered;
	s4 =	sadd.s32 s4, s6;
	[dreg:$0x0] =	wrdreg $0x0  }
0xa9: {  	s6 =	sshll.u32 s28, $0x1;
	[dreg:$0x2] =	wrdreg s4  }
0xaa: {  	[dreg:$0x3] =	wrdreg s6  }
0xab: {  	[dreg:$0x4] =	wrdreg $0xC0  }
0xac: {  	_ =	task [dreg:s8], $0x5FFFF  }
0xad: {  	[dreg:$0x1] =	wrdreg $0xFFFFFFFF  }
0xae: {  	[dreg:$0x0] =	wrdreg $0x60  }
0xaf: {  	[dreg:$0x2] =	wrdreg s2  }
0xb0: {  	[dreg:$0x3] =	wrdreg s24  }
0xb1: {  	[dreg:$0x4] =	wrdreg s18  }
0xb2: {  	[dreg:$0x5] =	wrdreg $0x0  }
0xb3: {  	[dreg:$0x6] =	wrdreg $0x9  }
0xb4: {  	_ =	task.clear_ibuf [dreg:s8], $0x7FFFF;
	_ =	strace $0x90000046  }
0xb5: {  	s29 =	simm.s32 $0x9;
	_ =	strace $0x80000048  }
0xb6: {  	_ =	swait.ge [sflag:s29], $0x1  }
0xb7: {  	[sflag:s29] =	ssyncadd.s32 $0xFFFFFFFF  }
0xb8: {  	_ =	strace $0x90000048  }
0xb9: {  	_ =	sfence  }
0xba: {  	s30 =	sld [smem:$0x0];
	_ =	sdelay $0x2  }
0xbb: {  	s31 =	sshll.u32 s1, $0xD;
	s1 =	sshrl.u32 s1, $0x2  }
0xbc: {  	s3 =	sand.u32 $0x4000, s31;
	s1 =	sadd.s32 s1, s30  }
0xbd: {  	s0 =	sor.u32 s3, s0;
	s1 =	sshll.u32 s1, $0x11  }
0xbe: {  	s0 =	sor.u32 s1, s0  }
0xbf: {  	s0 =	sadd.s32 $0x8F2B, s0  }
0xc0: {  	[sflag:s0] =	ssyncadd.remote.s32 $0x1  }
0xc1: {  	_ =	sfence.sel $0xFFFF  }
0xc2: {  	[dreg:$0x0] =	wrdreg $0xFFFFFFFF;
	(pc) =	sbr.abs _section_cstart, $3  }
0xc3: {  	[dreg:$0x1] =	wrdreg $0xFFFFFFFF  }
0xc4: {  	_ =	task.clear_ibuf [dreg:s8], $0x2FFFF;
	_ =	strace $0x9FFFFFFF  }
0xc5: {  	(tm) =	ssettm $0x7FFFFFFF  }
tec
execute0_lowered:
.L_overlay_start_1:
0x0: {  	(tag) =	ssettag $0x1  }
0x1: {  	s1 =	rddreg [dreg:$0x0]  }
0x2: {  	s5 =	rddreg [dreg:$0x1]  }
0x3: {  	s7 =	rddreg [dreg:$0x2]  }
0x4: {  	s0 =	srdreg.scid;
	s2 =	rddreg [dreg:$0x3]  }
0x5: {  	s15 =	simm.s32 $0x18880;
	s16 =	simm.s32 $0x3;
	s17 =	simm.s32 $0x6  }
0x6: {  	s18 =	simm.s32 $0x50;
	s19 =	simm.s32 $0x1B200;
	s6 =	sand.u32 $0x1, s0  }
0x7: {  	s30 =	simm.s32 $0xA;
	s0 =	stileid.u32;
	s11 =	smul.u32 $0x271000, s6  }
0x8: {  	s31 =	simm.s32 $0x1;
	s28 =	simm.s32 $0x0;
	s12 =	smul.u32 $0x27100, s0  }
0x9: {  	s3 =	sshll.u32 s6, $0x4;
	s9 =	sshll.u32 s0, $0x7;
	s14 =	smul.u32 $0x27100, s6  }
0xa: {  	s21 =	ssub.s32 $0x2, s6;
	s24 =	smul.u32 $0x2710, s0;
	s4 =	sor.u32 s0, s3  }
0xb: {  	s3 =	simm.s32 $0x0;
	s9 =	sand.u32 $0x380, s9;
	s13 =	sshrl.u32 s21, $0x1  }
0xc: {  	s8 =	sshrl.u32 s4, $0x3;
	[smem:$0x7FF] =	sst s3;
	s10 =	smul.u32 $0x2710, s4  }
0xd: {  	s20 =	smul.u32 $0x27100, s4;
	s4 =	sadd.s32 $0xB400, s5;
	s22 =	ssub.s32 s21, s13  }
0xe: {  	s26 =	sadd.s32 s24, s14;
	s13 =	simm.s32 $0x13880;
	s21 =	simm.s32 $0x5  }
0xf: {  	s24 =	simm.s32 $0x7;
	s8 =	smul.u32 $0x13C00, s8;
	_ =	strace $0x80000047  }
0x10: {  	s25 =	smax.u32 s22, $0x1;
	s29 =	sadd.s32 $0x50, s26;
	s22 =	simm.s32 $0x1B100  }
0x11: {  	s26 =	simm.s32 $0x9;
	s10 =	sshrl.u32 s10, $0x3;
	[dreg:$0x8] =	wrdreg s25  }
0x12: {  	[dreg:$0xa] =	wrdreg s29;
	s25 =	simm.s32 $0x8;
	s8 =	sor.u32 s9, s8  }
0x13: {  	s23 =	sadd.s32 s4, s10;
	s9 =	sadd.s32 s1, s20;
	s1 =	sadd.s32 s11, s1  }
0x14: {  	s11 =	sadd.s32 s14, s7;
	s14 =	simm.s32 $0x1B180;
	s20 =	simm.s32 $0x2  }
0x15: {  	s8 =	sshrl.u32 s8, $0x3;
	[dreg:$0x5] =	wrdreg s23;
	s1 =	sadd.s32 s12, s1  }
0x16: {  	[dreg:$0x6] =	wrdreg s9;
	s5 =	sadd.s32 s8, s5;
	s1 =	sadd.s32 $0x500, s1  }
0x17: {  	s12 =	simm.s32 $0x1B080;
	s5 =	sadd.s32 $0x15200, s5;
	[dreg:$0x9] =	wrdreg s1  }
0x18: {  	v0 =	vimm.f32 $0.0e+00;
	v1 =	vimm.f32 $1.000000000e+00;
	s23 =	simm.s32 $0x16080;
	s1 =	simm.s32 $0x4;
	[dreg:$0x7] =	wrdreg s5  }
.LBB2_1:
0x19: {  	s7 =	simm.s32 $0x70;
	s9 =	simm.s32 $0x3C0  }
.LBB2_2:
0x1a: {  	p0 =	sne.s32 s9, $0x4FC0;
	[tilespmem:s7+$0x1D980] =	vst v0  }
0x1b: {  	[tilespmem:s7+$0x1D910] =	vst v0  }
0x1c: {  	[tilespmem:s7+$0x1D920] =	vst v0  }
.Ltmp0:
0x1d: {  	[tilespmem:s7+$0x1D930] =	vst v0;
	(pc) =	sbr.rel @p0 .LBB2_2-.Ltmp0, $4  }
0x1e: {  	[tilespmem:s7+$0x1D940] =	vst v0  }
0x1f: {  	[tilespmem:s7+$0x1D950] =	vst v0  }
0x20: {  	[tilespmem:s7+$0x1D960] =	vst v0  }
0x21: {  	[tilespmem:s7+$0x1D970] =	vst v0;
	s7 =	sshra.s32 s9, $0x2;
	s9 =	sadd.s32 $0x200, s9  }
0x22: {  	[tilespmem:s7+$0x1D980] =	vst v0  }
0x23: {  	[tilespmem:s7+$0x1D910] =	vst v0  }
0x24: {  	[tilespmem:s7+$0x1D920] =	vst v0  }
0x25: {  	[tilespmem:s7+$0x1D930] =	vst v0  }
0x26: {  	[tilespmem:s7+$0x1D940] =	vst v0  }
0x27: {  	[tilespmem:s7+$0x1D950] =	vst v0  }
0x28: {  	[tilespmem:s7+$0x1D960] =	vst v0  }
0x29: {  	s9 =	simm.s32 $0x0;
	[tilespmem:s7+$0x1D970] =	vst v0;
	s7 =	simm.s32 $0x40;
	s8 =	simm.s32 $0x0  }
.LBB2_4:
0x2a: {  	p0 =	sne.s32 s7, $0x9C00;
	[tilespmem:s8+$0x1B200] =	vst v0;
	s8 =	smov.u32 s7;
	s7 =	sadd.s32 $0x40, s7  }
.Ltmp1:
0x2b: {  	(pc) =	sbr.rel @p0 .LBB2_4-.Ltmp1, $2  }
0x2c: {  	_ =	sdelay $0x2  }
0x2d: {  	s8 =	sshra.s32 s8, $0x2  }
0x2e: {  	s7 =	sand.u32 $0xF, s9  }
0x2f: {  	p0 =	sne.s32 s7, s0  }
0x30: {  	[tilespmem:s8+$0x1B200] =	vst v0;
	s7 =	simm.s32 @!p0 $0x1D980;
	s29 =	simm.s32 @!p0 $0xA  }
0x31: {  	[spmem:s2] =	stream.linear.scatter @!p0 [tilespmem:s7], [sflag:$0xA], $0x1400, $0x38;
	[tilespmem:$0x1ED80] =	vst v63  }
0x32: {  	s9 =	simm.s32 $0x1;
	_ =	swait.ge @!p0 [sflag:s29], $0x1400  }
0x33: {  	s10 =	simm.s32 $0x2;
	s7 =	sadd.s32 $0x1400, s2;
	[sflag:s29] =	ssyncset.done @!p0 $0x0  }
.LBB2_6:
0x34: {  	s8 =	sand.u32 $0xF, s9;
	s9 =	smov.u32 s10;
	s10 =	sadd.s32 $0x1, s10  }
0x35: {  	[sflag:s29] =	ssyncadd.s32 @!p0 $0xFFFFEC00;
	p1 =	sne.s32 s10, $0xFA  }
.Ltmp2:
0x36: {  	p0 =	sne.s32 s8, s0;
	(pc) =	sbr.rel @p1 .LBB2_6-.Ltmp2, $4  }
0x37: {  	s8 =	simm.s32 @!p0 $0x1D980;
	s29 =	simm.s32 @!p0 $0xA  }
0x38: {  	[spmem:s7] =	stream.linear.scatter @!p0 [tilespmem:s8], [sflag:$0xA], $0x1400, $0x38;
	[tilespmem:$0x1ED80] =	vst v63  }
0x39: {  	_ =	swait.ge @!p0 [sflag:s29], $0x1400  }
0x3a: {  	s7 =	sadd.s32 $0x1400, s7;
	[sflag:s29] =	ssyncset.done @!p0 $0x0  }
0x3b: {  	s8 =	sand.u32 $0xF, s9  }
0x3c: {  	p1 =	sne.s32 s8, s0  }
0x3d: {  	[sflag:s29] =	ssyncadd.s32 @!p0 $0xFFFFEC00;
	s8 =	simm.s32 @!p1 $0x1D980;
	s9 =	simm.s32 @!p1 $0xA  }
0x3e: {  	[spmem:s7] =	stream.linear.scatter @!p1 [tilespmem:s8], [sflag:$0xA], $0x1400, $0x38;
	[tilespmem:$0x1ED80] =	vst v63  }
0x3f: {  	_ =	swait.ge @!p1 [sflag:s9], $0x1400  }
0x40: {  	[sflag:s9] =	ssyncset.done @!p1 $0x0  }
0x41: {  	[sflag:s9] =	ssyncadd.s32 @!p1 $0xFFFFEC00  }
0x42: {  	[bflag:$0x0] =	sbarrier.arrive $0xFFFF  }
0x43: {  	s5 =	rddreg [dreg:$0x5]  }
.Ltmp3:
0x44: {  	s29 =	rddreg [dreg:$0x6];
	(pc) =	sbr.rel .LBB2_8-.Ltmp3, $4  }
0x45: {  	s7 =	simm.s32 $0x0;
	s10 =	rddreg [dreg:$0xa]  }
0x46: {  	[tilespmem:s12], [sflag:$0x1] =	stream.linear.gather [hbm4b:s5+s7], $0x50, $0x38;
	[tilespmem:$0x1ED80] =	vst v63  }
0x47: {  	s9 =	rddreg [dreg:$0x9]  }
0x48: {  	[tilespmem:s13], [sflag:$0x4] =	stream.linear.gather [hbm4b:s29+s7], $0x2800, $0x38;
	[tilespmem:$0x1ED80] =	vst v63  }
.LBB2_15:
0x49: {  	_ =	swait.ge [sflag:s16], $0x50  }
0x4a: {  	[sflag:s16] =	ssyncset.done $0x0  }
0x4b: {  	[sflag:s16] =	ssyncadd.s32 $0xFFFFFFB0  }
0x4c: {  	_ =	swait.ge [sflag:s17], $0x2800  }
0x4d: {  	[sflag:s17] =	ssyncset.done $0x0  }
0x4e: {  	[sflag:s17] =	ssyncadd.s32 $0xFFFFD800  }
0x4f: {  	[spmem:s2] =	stream.indirect.scatter.add.f32 [tilespmem:s15], [sflag:$0x9], $0x80, s14, s18, $0xb8;
	[tilespmem:$0x1ED80] =	vst v63  }
0x50: {  	v2 =	vld [tilespmem:$0x1B180];
	_ =	sdelay $0x7  }
0x51: {  	[tilespmem:v2+s19+$0x0] =	vst.idx.add.f32.msk $0xffff, v1  }
0x52: {  	v2 =	vld [tilespmem:$0x1B190];
	_ =	sdelay $0x7  }
0x53: {  	[tilespmem:v2+s19+$0x0] =	vst.idx.add.f32.msk $0xffff, v1  }
0x54: {  	v2 =	vld [tilespmem:$0x1B1A0];
	_ =	sdelay $0x7  }
0x55: {  	s8 =	simm.s32 $0x1B1C0;
	s29 =	simm.s32 $0x1B1B0;
	[tilespmem:v2+s19+$0x0] =	vst.idx.add.f32.msk $0xffff, v1  }
.LBB2_16:
0x56: {  	v2 =	vld [tilespmem:s29+$0x0];
	_ =	sdelay $0x7  }
0x57: {  	[tilespmem:v2+s19+$0x0] =	vst.idx.add.f32.msk $0xffff, v1  }
0x58: {  	v2 =	vld [tilespmem:s8+$0x0];
	_ =	sdelay $0x2  }
0x59: {  	p0 =	sne.s32 s7, $0x7C  }
.Ltmp4:
0x5a: {  	_ = 	snop;
	(pc) =	sbr.rel @!p0 .LBB2_17-.Ltmp4, $2  }
0x5b: {  	_ =	sdelay $0x2  }
0x5c: {  	s9 =	sadd.s32 $0x500, s9;
	s10 =	sadd.s32 $0x50, s10;
	[tilespmem:v2+s19+$0x0] =	vst.idx.add.f32.msk $0xffff, v1  }
.LBB2_8:
0x5d: {  	s29 =	smov.u32 s7;
	s7 =	sadd.s32 $0x1, s7  }
0x5e: {  	s8 =	smul.u32 $0xAB, s7;
	_ =	sdelay $0x1  }
0x5f: {  	s8 =	sshrl.u32 s8, $0x9  }
0x60: {  	s8 =	sand.u32 $0x7F, s8  }
0x61: {  	s8 =	smul.u32 $0x3, s8;
	_ =	sdelay $0x1  }
0x62: {  	s8 =	ssub.s32 s7, s8  }
0x63: {  	s8 =	sand.u32 $0xFF, s8  }
0x64: {  	p0 =	seq.s32 s8, $0x2  }
.Ltmp5:
0x65: {  	_ = 	snop;
	(pc) =	sbr.rel @p0 .LBB2_12-.Ltmp5, $1  }
0x66: {  	_ =	sdelay $0x3  }
0x67: {  	p0 =	seq.s32 s8, $0x1  }
.Ltmp6:
0x68: {  	_ = 	snop;
	(pc) =	sbr.rel @!p0 .LBB2_10-.Ltmp6, $1  }
0x69: {  	_ =	sdelay $0x3  }
0x6a: {  	p0 =	slt.u32 s29, $0x2  }
0x6b: {  	s6 =	simm.s32 @!p0 $0x8  }
0x6c: {  	_ =	swait.ge @!p0 [sflag:s6], $0x2800  }
.Ltmp7:
0x6d: {  	s8 =	sshrl.u32 s10, $0x3;
	[sflag:s6] =	ssyncset.done @!p0 $0x0;
	(pc) =	sbr.rel .LBB2_13-.Ltmp7, $4  }
0x6e: {  	s8 =	sadd.s32 s4, s8;
	[sflag:s6] =	ssyncadd.s32 @!p0 $0xFFFFD800  }
0x6f: {  	[tilespmem:s22], [sflag:$0x2] =	stream.linear.gather [hbm4b:s8+s3], $0x50, $0x38;
	[tilespmem:$0x1ED80] =	vst v63  }
0x70: {  	_ = 	snop  }
0x71: {  	[tilespmem:s23], [sflag:$0x5] =	stream.linear.gather [hbm4b:s9+s3], $0x2800, $0x38;
	[tilespmem:$0x1ED80] =	vst v63  }
.LBB2_12:
0x72: {  	p0 =	slt.u32 s29, $0x2  }
0x73: {  	s6 =	simm.s32 @!p0 $0x9  }
0x74: {  	_ =	swait.ge @!p0 [sflag:s6], $0x2800  }
.Ltmp8:
0x75: {  	s8 =	sshrl.u32 s10, $0x3;
	[sflag:s6] =	ssyncset.done @!p0 $0x0;
	(pc) =	sbr.rel .LBB2_13-.Ltmp8, $4  }
0x76: {  	s8 =	sadd.s32 s4, s8;
	[sflag:s6] =	ssyncadd.s32 @!p0 $0xFFFFD800  }
0x77: {  	[tilespmem:s14], [sflag:$0x3] =	stream.linear.gather [hbm4b:s8+s3], $0x50, $0x38;
	[tilespmem:$0x1ED80] =	vst v63  }
0x78: {  	_ = 	snop  }
0x79: {  	[tilespmem:s15], [sflag:$0x6] =	stream.linear.gather [hbm4b:s9+s3], $0x2800, $0x38;
	[tilespmem:$0x1ED80] =	vst v63  }
.LBB2_10:
0x7a: {  	p0 =	slt.u32 s29, $0x2  }
0x7b: {  	s8 =	simm.s32 @!p0 $0x7  }
0x7c: {  	_ =	swait.ge @!p0 [sflag:s8], $0x2800  }
0x7d: {  	s6 =	sshrl.u32 s10, $0x3;
	[sflag:s8] =	ssyncset.done @!p0 $0x0  }
0x7e: {  	s6 =	sadd.s32 s4, s6;
	[sflag:s8] =	ssyncadd.s32 @!p0 $0xFFFFD800  }
0x7f: {  	[tilespmem:s12], [sflag:$0x1] =	stream.linear.gather [hbm4b:s6+s3], $0x50, $0x38;
	[tilespmem:$0x1ED80] =	vst v63  }
0x80: {  	_ = 	snop  }
0x81: {  	[tilespmem:s13], [sflag:$0x4] =	stream.linear.gather [hbm4b:s9+s3], $0x2800, $0x38;
	[tilespmem:$0x1ED80] =	vst v63  }
.LBB2_13:
0x82: {  	s6 =	smul.u32 $0xAB, s29;
	_ =	sdelay $0x1  }
0x83: {  	s6 =	sshrl.u32 s6, $0x9  }
0x84: {  	s6 =	sand.u32 $0x7F, s6  }
0x85: {  	s6 =	smul.u32 $0x3, s6;
	_ =	sdelay $0x1  }
0x86: {  	s6 =	ssub.s32 s29, s6  }
0x87: {  	s8 =	sand.u32 $0xFF, s6  }
0x88: {  	p0 =	seq.s32 s8, $0x2  }
.Ltmp9:
0x89: {  	_ = 	snop;
	(pc) =	sbr.rel @p0 .LBB2_15-.Ltmp9, $1  }
0x8a: {  	_ =	sdelay $0x3  }
0x8b: {  	p0 =	seq.s32 s8, $0x1  }
0x8c: {  	_ =	swait.ge @p0 [sflag:s20], $0x50  }
0x8d: {  	[sflag:s20] =	ssyncset.done @p0 $0x0  }
0x8e: {  	[sflag:s20] =	ssyncadd.s32 @p0 $0xFFFFFFB0  }
0x8f: {  	_ =	swait.ge @p0 [sflag:s21], $0x2800  }
0x90: {  	[sflag:s21] =	ssyncset.done @p0 $0x0  }
0x91: {  	[sflag:s21] =	ssyncadd.s32 @p0 $0xFFFFD800  }
0x92: {  	[spmem:s2] =	stream.indirect.scatter.add.f32 @p0 [tilespmem:s23], [sflag:$0x8], $0x80, s22, s18, $0xb8;
	[tilespmem:$0x1ED80] =	vst v63  }
0x93: {  	v2 =	vld @p0 [tilespmem:$0x1B100];
	_ =	sdelay $0x7  }
0x94: {  	[tilespmem:v2+s19+$0x0] =	vst.idx.add.f32.msk @p0 $0xffff, v1  }
0x95: {  	v2 =	vld @p0 [tilespmem:$0x1B110];
	_ =	sdelay $0x7  }
0x96: {  	[tilespmem:v2+s19+$0x0] =	vst.idx.add.f32.msk @p0 $0xffff, v1  }
0x97: {  	v2 =	vld @p0 [tilespmem:$0x1B120];
	_ =	sdelay $0x7  }
0x98: {  	[tilespmem:v2+s19+$0x0] =	vst.idx.add.f32.msk @p0 $0xffff, v1  }
0x99: {  	_ =	swait.ge @!p0 [sflag:s31], $0x50  }
0x9a: {  	[sflag:s31] =	ssyncset.done @!p0 $0x0  }
0x9b: {  	[sflag:s31] =	ssyncadd.s32 @!p0 $0xFFFFFFB0  }
0x9c: {  	_ =	swait.ge @!p0 [sflag:s1], $0x2800  }
0x9d: {  	[sflag:s1] =	ssyncset.done @!p0 $0x0  }
0x9e: {  	[sflag:s1] =	ssyncadd.s32 @!p0 $0xFFFFD800  }
0x9f: {  	[spmem:s2] =	stream.indirect.scatter.add.f32 @!p0 [tilespmem:s13], [sflag:$0x7], $0x80, s12, s18, $0xb8;
	[tilespmem:$0x1ED80] =	vst v63  }
0xa0: {  	v2 =	vld @!p0 [tilespmem:$0x1B080];
	_ =	sdelay $0x7  }
0xa1: {  	[tilespmem:v2+s19+$0x0] =	vst.idx.add.f32.msk @!p0 $0xffff, v1  }
0xa2: {  	v2 =	vld @!p0 [tilespmem:$0x1B090];
	_ =	sdelay $0x7  }
0xa3: {  	[tilespmem:v2+s19+$0x0] =	vst.idx.add.f32.msk @!p0 $0xffff, v1  }
0xa4: {  	v2 =	vld @!p0 [tilespmem:$0x1B0A0];
	_ =	sdelay $0x3  }
.Ltmp10:
0xa5: {  	_ = 	snop;
	(pc) =	sbr.rel .LBB2_16-.Ltmp10, $3  }
0xa6: {  	_ =	sdelay $0x1  }
0xa7: {  	s8 =	simm.s32 @p0 $0x1B140;
	s29 =	simm.s32 @p0 $0x1B130  }
0xa8: {  	s8 =	simm.s32 @!p0 $0x1B0C0;
	s29 =	simm.s32 @!p0 $0x1B0B0;
	[tilespmem:v2+s19+$0x0] =	vst.idx.add.f32.msk @!p0 $0xffff, v1  }
.LBB2_17:
0xa9: {  	_ =	swait.ge [sflag:s20], $0x50  }
0xaa: {  	[sflag:s20] =	ssyncset.done $0x0  }
0xab: {  	[sflag:s20] =	ssyncadd.s32 $0xFFFFFFB0  }
0xac: {  	_ =	swait.ge [sflag:s21], $0x2800  }
0xad: {  	[sflag:s21] =	ssyncset.done $0x0  }
0xae: {  	[sflag:s21] =	ssyncadd.s32 $0xFFFFD800  }
0xaf: {  	[spmem:s2] =	stream.indirect.scatter.add.f32 [tilespmem:s23], [sflag:$0x8], $0x80, s22, s18, $0xb8;
	[tilespmem:$0x1ED80] =	vst v63  }
0xb0: {  	v2 =	vld [tilespmem:$0x1B100];
	_ =	sdelay $0x7  }
0xb1: {  	[tilespmem:v2+s19+$0x0] =	vst.idx.add.f32.msk $0xffff, v1  }
0xb2: {  	v2 =	vld [tilespmem:$0x1B110];
	_ =	sdelay $0x7  }
0xb3: {  	[tilespmem:v2+s19+$0x0] =	vst.idx.add.f32.msk $0xffff, v1  }
0xb4: {  	v2 =	vld [tilespmem:$0x1B120];
	_ =	sdelay $0x7  }
0xb5: {  	[tilespmem:v2+s19+$0x0] =	vst.idx.add.f32.msk $0xffff, v1  }
0xb6: {  	v2 =	vld [tilespmem:$0x1B130];
	_ =	sdelay $0x7  }
0xb7: {  	[tilespmem:v2+s19+$0x0] =	vst.idx.add.f32.msk $0xffff, v1  }
0xb8: {  	v2 =	vld [tilespmem:$0x1B140];
	_ =	sdelay $0x7  }
0xb9: {  	[tilespmem:v2+s19+$0x0] =	vst.idx.add.f32.msk $0xffff, v1  }
0xba: {  	_ =	swait.ge [sflag:s24], $0x2800  }
0xbb: {  	[sflag:s24] =	ssyncset.done $0x0  }
0xbc: {  	[sflag:s24] =	ssyncadd.s32 $0xFFFFD800  }
0xbd: {  	_ =	swait.ge [sflag:s25], $0x2800  }
0xbe: {  	[sflag:s25] =	ssyncset.done $0x0  }
0xbf: {  	[sflag:s25] =	ssyncadd.s32 $0xFFFFD800  }
0xc0: {  	_ =	swait.ge [sflag:s26], $0x2800  }
0xc1: {  	s6 =	simm.s32 $0x80;
	s7 =	simm.s32 $0x400;
	[sflag:s26] =	ssyncset.done $0x0  }
0xc2: {  	s9 =	simm.s32 $0x0;
	s5 =	rddreg [dreg:$0x7];
	[sflag:s26] =	ssyncadd.s32 $0xFFFFD800  }
0xc3: {  	[hbm4b:s5+s6] =	stream.strided.scatter [tilespmem:s19], [sflag:$0xA], $0x2780, s7, s6, $0x38;
	[tilespmem:$0x1ED80] =	vst v63  }
0xc4: {  	s6 =	sand.u32 $0xF, s9;
	_ =	swait.ge [sflag:s30], $0x2780  }
0xc5: {  	s10 =	simm.s32 $0x1;
	p0 =	sne.s32 s6, s0;
	[sflag:s30] =	ssyncset.done $0x0  }
0xc6: {  	s7 =	sshll.u32 @!p0 s0, $0x6;
	s8 =	sshrl.u32 @!p0 s2, $0x3;
	[sflag:s30] =	ssyncadd.s32 $0xFFFFD880  }
0xc7: {  	s29 =	simm.s32 @!p0 $0xA;
	s7 =	sor.u32 @!p0 $0x1C0A, s7;
	[bflag:$0x0] =	sbarrier.arrive $0xFFFF  }
0xc8: {  	[hbm:s11], [sflag:s7] =	dma.local @!p0 [spmem:s8], $0x280  }
0xc9: {  	s9 =	simm.s32 $0x2;
	s7 =	sadd.s32 $0x280, s11;
	_ =	swait.ge @!p0 [sflag:s29], $0x280  }
0xca: {  	s8 =	sand.u32 $0xF, s10;
	s10 =	sadd.s32 $0x1400, s2;
	[sflag:s29] =	ssyncset.done @!p0 $0x0  }
.LBB2_18:
0xcb: {  	s6 =	smov.u32 s9;
	s9 =	sadd.s32 $0x1, s9  }
0xcc: {  	[sflag:s29] =	ssyncadd.s32 @!p0 $0xFFFFFD80;
	p0 =	sne.s32 s8, s0;
	p1 =	sne.s32 s9, $0xFA  }
.Ltmp11:
0xcd: {  	s8 =	sshll.u32 @!p0 s0, $0x6;
	s5 =	sshrl.u32 @!p0 s10, $0x3;
	(pc) =	sbr.rel @p1 .LBB2_18-.Ltmp11, $4  }
0xce: {  	s29 =	simm.s32 @!p0 $0xA;
	s8 =	sor.u32 @!p0 $0x1C0A, s8  }
0xcf: {  	[hbm:s7], [sflag:s8] =	dma.local @!p0 [spmem:s5], $0x280  }
0xd0: {  	s7 =	sadd.s32 $0x280, s7;
	_ =	swait.ge @!p0 [sflag:s29], $0x280  }
0xd1: {  	s10 =	sadd.s32 $0x1400, s10;
	s8 =	sand.u32 $0xF, s6;
	[sflag:s29] =	ssyncset.done @!p0 $0x0  }
0xd2: {  	p1 =	sne.s32 s8, s0  }
0xd3: {  	[sflag:s29] =	ssyncadd.s32 @!p0 $0xFFFFFD80;
	s5 =	sshll.u32 @!p1 s0, $0x6  }
0xd4: {  	s6 =	sshrl.u32 @!p1 s10, $0x3;
	s8 =	simm.s32 @!p1 $0xA;
	s5 =	sor.u32 @!p1 $0x1C0A, s5  }
0xd5: {  	[hbm:s7], [sflag:s5] =	dma.local @!p1 [spmem:s6], $0x280  }
0xd6: {  	_ =	swait.ge @!p1 [sflag:s8], $0x280  }
0xd7: {  	s28 =	sadd.s32 $0x1, s28;
	s29 =	rddreg [dreg:$0x8]  }
0xd8: {  	p0 =	sne.s32 s28, s29  }
.Ltmp12:
0xd9: {  	_ = 	snop;
	(pc) =	sbr.rel @p0 .LBB2_1-.Ltmp12, $3  }
0xda: {  	_ =	sdelay $0x1  }
0xdb: {  	[sflag:s8] =	ssyncset.done @!p1 $0x0  }
0xdc: {  	[sflag:s8] =	ssyncadd.s32 @!p1 $0xFFFFFD80  }
0xdd: {  	_ =	sfence.sel $0x180000  }
0xde: {  	[bflag:$0x0] =	sbarrier.arrive $0xFFFF  }
0xdf: {  	_ =	strace $0x90000047  }
0xe0: {  	[bflag:$0x2] =	sbarrier.arrive $0xFFFF  }
0xe1: {  	p0 =	sne.s32 s0, $0x0;
	s0 =	rddreg [dreg:$0x4]  }
0xe2: {  	s0 =	sadd.s32 @!p0 $0x100000, s0  }
0xe3: {  	[sflag:s0] =	ssyncadd.tile.s32 @!p0 $0x1;
	_ =	shalt  }
.Lfunc_end2:
_tile_overlayer_lowered:
.L_overlay_start_2:
0xe4: {  	(tag) =	ssettag $0x2  }
0xe5: {  	s0 =	rddreg [dreg:$0x0];
	s2 =	stileid.u32  }
0xe6: {  	s1 =	rddreg [dreg:$0x1];
	p0 =	sne.s32 s2, $0x0  }
0xe7: {  	s3 =	rddreg [dreg:$0x2];
	[bflag:$0x3] =	sbarrier.arrive $0xFFFF;
	s2 =	simm.s32 @!p0 $0x1C0A  }
0xe8: {  	[timem:s3], [sflag:s2] =	dma.local @!p0 [hbm:s0], s1  }
0xe9: {  	s0 =	simm.s32 @!p0 $0xA  }
0xea: {  	_ =	swait.ge @!p0 [sflag:s0], s1  }
0xeb: {  	s1 =	ssub.s32 @!p0 $0x0, s1;
	[sflag:s0] =	ssyncset.done @!p0 $0x0  }
0xec: {  	[sflag:s0] =	ssyncadd.s32 @!p0 s1  }
0xed: {  	[bflag:$0x3] =	sbarrier.arrive $0xFFFF  }
0xee: {  	_ =	shalt  }

// kernel: kernel.8.cloned.1.call-start
scs
__scs_entry_jumppad:
0x0: {  	(pc) =	sbr.rel $0x88, $3  }
0x1: {  	(tag) =	ssettag $0x0;
	lr =	simm.s32 $0x1  }
0x2: {  	[smem:$0x3F9C] =	sst lr;
	_ =	strace $0xD0000000  }
0x3: {  	_ = 	snop  }
0x4: {  	_ = 	snop  }
0x5: {  	_ = 	snop  }
0x6: {  	_ = 	snop  }
0x7: {  	_ = 	snop  }
__scs_overlays_trampoline_lowered:
0x8: {  	[smem:$0x3FAB] =	sst s0  }
0x9: {  	[smem:$0x3FAC] =	sst s1  }
0xa: {  	[smem:$0x3FAD] =	sst s2  }
0xb: {  	[smem:$0x3FAE] =	sst s3  }
0xc: {  	[smem:$0x3FAF] =	sst s4  }
0xd: {  	[smem:$0x3FB0] =	sst s5  }
0xe: {  	[smem:$0x3FB1] =	sst s6  }
0xf: {  	[smem:$0x3FB2] =	sst s7  }
0x10: {  	[smem:$0x3FB3] =	sst s8  }
0x11: {  	[smem:$0x3FB4] =	sst s9;
	s0 =	simm.s32 @!p0 $0x0  }
0x12: {  	s1 =	sld [smem:$0x3F9A];
	s0 =	simm.s32 @p0 $0x1  }
0x13: {  	[smem:$0x3FB5] =	sst s0;
	s0 =	simm.s32 @!p1 $0x0  }
0x14: {  	s2 =	sld [smem:$0x3F99];
	s0 =	simm.s32 @p1 $0x1  }
0x15: {  	[smem:$0x3FB6] =	sst s0;
	s0 =	simm.s32 @!p2 $0x0  }
0x16: {  	s3 =	sld [smem:$0x3FDB];
	s0 =	simm.s32 @p2 $0x1  }
0x17: {  	s4 =	simm.s32 $0x1BF5;
	[smem:$0x3FB8] =	sst s0  }
0x18: {  	s0 =	sld [smem:$0x3F9B];
	_ =	swait.ge [sflag:s4], $0x0  }
0x19: {  	s7 =	sld [smem:$0x3F9C]  }
0x1a: {  	s8 =	sadd.s32 $0xFFFFE003, lr  }
0x1b: {  	s9 =	sadd.s32 $0xFFFFFEF7, lr;
	s5 =	simm.s32 $0xFFFFFFFF;
	p2 =	slt.u32 s8, $0xFFFFF086  }
0x1c: {  	p1 =	slt.u32 s9, $0xF7A;
	s5 =	simm.s32 @!p2 $0x0  }
0x1d: {  	s5 =	simm.s32 @p1 $0x1;
	p0 =	seq.s32 s7, s2  }
0x1e: {  	s7 =	smul.u32 @!p0 $0xF7A, s2;
	p2 =	seq.s32 @!p0 s5, $0x0  }
0x1f: {  	s9 =	smul.u32 $0xF7A, s1;
	s8 =	simm.s32 @!p0 $0x1BF5;
	p2 =	por !p2, p0  }
0x20: {  	[sflag:s8] =	ssyncset.s32 @!p0 $0xFFFFF086;
	s6 =	sadd.s32 @!p0 s3, s7;
	s7 =	simm.s32 @!p0 $0x108  }
0x21: {  	s3 =	sadd.s32 s3, s9;
	s6 =	sadd.s32 @!p0 $0x88, s6;
	s7 =	simm.s32 @p2 $0x1082  }
0x22: {  	[simem:s7], [sflag:s8] =	dma.local @!p0 [hbm:s6], $0xF7A  }
0x23: {  	s9 =	sor.u32 $0xD0000000, s2;
	s6 =	simm.s32 $0x108;
	_ =	swait.ge @!p0 [sflag:s8], $0x0  }
0x24: {  	s3 =	sadd.s32 $0x88, s3;
	s6 =	simm.s32 @!p1 $0x1082;
	[sflag:s4] =	ssyncset.s32 $0xFFFFF086  }
0x25: {  	[simem:s6], [sflag:s4] =	dma.local [hbm:s3], $0xF7A  }
0x26: {  	[smem:$0x3F9C] =	sst s1;
	(tag) =	ssettag s2;
	_ =	strace s9  }
0x27: {  	s1 =	sld [smem:$0x3FAC]  }
0x28: {  	s2 =	sld [smem:$0x3FAD]  }
0x29: {  	s4 =	sld [smem:$0x3FAF]  }
0x2a: {  	p0 =	seq.s32 s5, $0x0;
	s5 =	sld [smem:$0x3FB0]  }
0x2b: {  	s6 =	sld [smem:$0x3FB1]  }
0x2c: {  	s7 =	sld [smem:$0x3FB2]  }
0x2d: {  	s3 =	simm.s32 $0x108;
	s8 =	sld [smem:$0x3FB3]  }
0x2e: {  	s3 =	simm.s32 @!p0 $0x1082;
	s9 =	sld [smem:$0x3FB4]  }
0x2f: {  	lr =	sadd.s32 s0, s3;
	s0 =	sld [smem:$0x3FAB]  }
0x30: {  	s3 =	sld [smem:$0x3FAE]  }
0x31: {  	[smem:$0x3FB7] =	sst s10  }
0x32: {  	s10 =	sld [smem:$0x3FB5];
	_ =	sdelay $0x3  }
0x33: {  	p0 =	seq.s32 s10, $0x1;
	s10 =	sld [smem:$0x3FB7];
	_ =	sdelay $0x3  }
0x34: {  	[smem:$0x3FB7] =	sst s10  }
0x35: {  	s10 =	sld [smem:$0x3FB6];
	_ =	sdelay $0x3  }
0x36: {  	p1 =	seq.s32 s10, $0x1;
	s10 =	sld [smem:$0x3FB7];
	_ =	sdelay $0x3  }
0x37: {  	[smem:$0x3FB7] =	sst s10  }
0x38: {  	s10 =	sld [smem:$0x3FB8]  }
0x39: {  	_ = 	snop;
	(pc) =	sbr.ind lr, $3  }
0x3a: {  	_ = 	snop  }
0x3b: {  	_ = 	snop  }
0x3c: {  	p2 =	seq.s32 s10, $0x1;
	s10 =	sld [smem:$0x3FB7]  }
0x3d: {  	_ =	shalt  }
0x3e: {  	_ =	shalt  }
0x3f: {  	_ =	shalt  }
0x40: {  	_ =	shalt  }
0x41: {  	_ =	shalt  }
0x42: {  	_ =	shalt  }
0x43: {  	_ =	shalt  }
0x44: {  	_ =	shalt  }
0x45: {  	_ =	shalt  }
0x46: {  	_ =	shalt  }
0x47: {  	_ =	shalt  }
0x48: {  	_ =	shalt  }
0x49: {  	_ =	shalt  }
0x4a: {  	_ =	shalt  }
0x4b: {  	_ =	shalt  }
0x4c: {  	_ =	shalt  }
0x4d: {  	_ =	shalt  }
0x4e: {  	_ =	shalt  }
0x4f: {  	_ =	shalt  }
0x50: {  	_ =	shalt  }
0x51: {  	_ =	shalt  }
0x52: {  	_ =	shalt  }
0x53: {  	_ =	shalt  }
0x54: {  	_ =	shalt  }
0x55: {  	_ =	shalt  }
0x56: {  	_ =	shalt  }
0x57: {  	_ =	shalt  }
0x58: {  	_ =	shalt  }
0x59: {  	_ =	shalt  }
0x5a: {  	_ =	shalt  }
0x5b: {  	_ =	shalt  }
0x5c: {  	_ =	shalt  }
0x5d: {  	_ =	shalt  }
0x5e: {  	_ =	shalt  }
0x5f: {  	_ =	shalt  }
0x60: {  	_ =	shalt  }
0x61: {  	_ =	shalt  }
0x62: {  	_ =	shalt  }
0x63: {  	_ =	shalt  }
0x64: {  	_ =	shalt  }
0x65: {  	_ =	shalt  }
0x66: {  	_ =	shalt  }
0x67: {  	_ =	shalt  }
0x68: {  	_ =	shalt  }
0x69: {  	_ =	shalt  }
0x6a: {  	_ =	shalt  }
0x6b: {  	_ =	shalt  }
0x6c: {  	_ =	shalt  }
0x6d: {  	_ =	shalt  }
0x6e: {  	_ =	shalt  }
0x6f: {  	_ =	shalt  }
0x70: {  	_ =	shalt  }
0x71: {  	_ =	shalt  }
0x72: {  	_ =	shalt  }
0x73: {  	_ =	shalt  }
0x74: {  	_ =	shalt  }
0x75: {  	_ =	shalt  }
0x76: {  	_ =	shalt  }
0x77: {  	_ =	shalt  }
0x78: {  	_ =	shalt  }
0x79: {  	_ =	shalt  }
0x7a: {  	_ =	shalt  }
0x7b: {  	_ =	shalt  }
0x7c: {  	_ =	shalt  }
0x7d: {  	_ =	shalt  }
0x7e: {  	_ =	shalt  }
0x7f: {  	_ =	shalt  }
0x80: {  	_ =	shalt  }
0x81: {  	_ =	shalt  }
0x82: {  	_ =	shalt  }
0x83: {  	_ =	shalt  }
0x84: {  	_ =	shalt  }
0x85: {  	_ =	shalt  }
0x86: {  	_ =	shalt  }
0x87: {  	_ =	shalt  }
.Lfunc_end0:
.L_simem_size_0:
called_computation.1_lowered:
.L_overlay_start_0:
0x88: {  	s2 =	sld [smem:$0x3FD9]  }
0x89: {  	s3 =	sld [smem:$0x3FFE];
	_ =	sdelay $0x1  }
0x8a: {  	s1 =	srdreg.scid  }
0x8b: {  	s0 =	sand.u32 $0x1, s1  }
0x8c: {  	s17 =	sshll.u32 s0, $0xA;
	s2 =	sadd.s32 s3, s2  }
0x8d: {  	s2 =	sadd.s32 s2, s17  }
0x8e: {  	[smem:$0x3FC3] =	sst s2  }
0x8f: {  	_ = 	snop  }
0x90: {  	s2 =	sld [smem:$0x3FD0];
	(tm) =	ssettm $0x1  }
0x91: {  	s18 =	sld [smem:$0x3FFB];
	_ =	sdelay $0x3  }
0x92: {  	_ =	strace s18  }
0x93: {  	s3 =	sld [smem:$0x3FFC];
	_ =	sdelay $0x3  }
0x94: {  	_ =	strace s3  }
0x95: {  	s3 =	sld [smem:$0x3FFD];
	_ =	sdelay $0x3  }
0x96: {  	_ =	strace s3  }
0x97: {  	_ =	strace $0x8FFFFFFF  }
0x98: {  	s19 =	sld [smem:$0x3FDB];
	_ =	sdelay $0x1  }
0x99: {  	s4 =	simm.s32 $_scs_section_size  }
0x9a: {  	s5 =	simm.s32 $_size__tile_overlayer_lowered;
	s6 =	simm.s32 $_tile_overlayer_lowered  }
0x9b: {  	s22 =	simm.s32 $0x1BFF;
	s21 =	sshll.u32 s6, $0x1;
	s3 =	sadd.s32 s4, s19  }
0x9c: {  	s7 =	simm.s32 $0x0;
	s20 =	sshll.u32 s5, $0x1;
	s5 =	sadd.s32 s21, s3  }
0x9d: {  	[timem:s7], [sflag:s22] =	dma.local [hbm:s5], s20  }
0x9e: {  	_ =	swait.ge [sflag:s22], s20  }
0x9f: {  	s4 =	ssub.s32 $0x0, s20;
	[sflag:s22] =	ssyncset.done $0x0  }
0xa0: {  	[sflag:s22] =	ssyncadd.s32 s4;
	_ =	sdelay $0x1  }
0xa1: {  	s23 =	simm.s32 $0x1B8B  }
0xa2: {  	_ =	swait.ge [sflag:s23], $0x1  }
0xa3: {  	[sflag:s23] =	ssyncset.done $0x0  }
0xa4: {  	s25 =	simm.s32 $0x1B8E;
	s24 =	sld [smem:$0x3FFE];
	[sflag:s23] =	ssyncadd.s32 $0xFFFFFFFF  }
0xa5: {  	s26 =	simm.s32 $execute0_lowered;
	[smem:$0x3FD2] =	sst s25  }
0xa6: {  	s5 =	sshll.u32 s26, $0x1;
	_ =	strace $0x80000049;
	[dreg:$0x1] =	wrdreg $0xFFFFFFFF  }
0xa7: {  	s28 =	simm.s32 $_size_execute0_lowered;
	s3 =	sadd.s32 s3, s5;
	[dreg:$0x0] =	wrdreg $0x0  }
0xa8: {  	s5 =	sshll.u32 s28, $0x1;
	[dreg:$0x2] =	wrdreg s3  }
0xa9: {  	[dreg:$0x3] =	wrdreg s5  }
0xaa: {  	[dreg:$0x4] =	wrdreg $0xC0  }
0xab: {  	_ =	task [dreg:s7], $0x5FFFF  }
0xac: {  	[dreg:$0x1] =	wrdreg $0xFFFFFFFF  }
0xad: {  	[dreg:$0x0] =	wrdreg $0x60  }
0xae: {  	[dreg:$0x2] =	wrdreg s24  }
0xaf: {  	[dreg:$0x3] =	wrdreg s2  }
0xb0: {  	[dreg:$0x4] =	wrdreg $0x9  }
0xb1: {  	_ =	task.clear_ibuf [dreg:s7], $0x5FFFF;
	_ =	strace $0x90000049  }
0xb2: {  	s29 =	simm.s32 $0x9;
	_ =	strace $0x8000004B  }
0xb3: {  	_ =	swait.ge [sflag:s29], $0x1  }
0xb4: {  	[sflag:s29] =	ssyncadd.s32 $0xFFFFFFFF  }
0xb5: {  	_ =	strace $0x9000004B  }
0xb6: {  	_ =	sfence  }
0xb7: {  	s30 =	sld [smem:$0x0];
	_ =	sdelay $0x2  }
0xb8: {  	s31 =	sshll.u32 s1, $0xD;
	s1 =	sshrl.u32 s1, $0x2  }
0xb9: {  	s3 =	sand.u32 $0x4000, s31;
	s1 =	sadd.s32 s1, s30  }
0xba: {  	s0 =	sor.u32 s3, s0;
	s1 =	sshll.u32 s1, $0x11  }
0xbb: {  	s0 =	sor.u32 s1, s0  }
0xbc: {  	s0 =	sadd.s32 $0x8F2B, s0  }
0xbd: {  	[sflag:s0] =	ssyncadd.remote.s32 $0x1  }
0xbe: {  	_ =	sfence.sel $0xFFFF  }
0xbf: {  	[dreg:$0x0] =	wrdreg $0xFFFFFFFF;
	(pc) =	sbr.abs _section_cstart, $3  }
0xc0: {  	[dreg:$0x1] =	wrdreg $0xFFFFFFFF  }
0xc1: {  	_ =	task.clear_ibuf [dreg:s7], $0x2FFFF;
	_ =	strace $0x9FFFFFFF  }
0xc2: {  	(tm) =	ssettm $0x7FFFFFFF  }
0xc3: {  	_ =	shalt  }
tec
execute0_lowered:
.L_overlay_start_1:
0x0: {  	(tag) =	ssettag $0x1  }
0x1: {  	s7 =	rddreg [dreg:$0x0]  }
0x2: {  	s0 =	srdreg.scid;
	s2 =	rddreg [dreg:$0x1]  }
0x3: {  	s3 =	simm.s32 $0x0;
	s11 =	simm.s32 $0x2780;
	s12 =	simm.s32 $0x50  }
0x4: {  	s13 =	simm.s32 $0x4F00;
	s14 =	simm.s32 $0x9F00;
	s15 =	simm.s32 $0x2  }
0x5: {  	s16 =	simm.s32 $0x4;
	s17 =	simm.s32 $0x11700;
	s18 =	simm.s32 $0x5  }
0x6: {  	s19 =	simm.s32 $0x1;
	s20 =	simm.s32 $0x3;
	s6 =	sand.u32 $0x1, s0  }
0x7: {  	s21 =	simm.s32 $0xEF00;
	s0 =	stileid.u32;
	s1 =	sshll.u32 s6, $0x4  }
0x8: {  	s22 =	simm.s32 $0x6;
	s23 =	simm.s32 $0x0;
	s5 =	sor.u32 s0, s1  }
0x9: {  	[smem:$0x7FF] =	sst s3;
	s6 =	ssub.s32 $0x2, s6;
	s4 =	smul.u32 $0x2710, s5  }
0xa: {  	s1 =	rddreg [dreg:$0x2];
	s10 =	sshrl.u32 s6, $0x1;
	s8 =	smul.u32 $0x138800, s5  }
0xb: {  	_ =	strace $0x8000004A;
	s5 =	sadd.s32 $0x15200, s7;
	s31 =	ssub.s32 s6, s10  }
0xc: {  	s10 =	simm.s32 $0x7;
	s9 =	sshrl.u32 s4, $0x3;
	s8 =	sshrl.u32 s8, $0x3  }
0xd: {  	s7 =	sadd.s32 s9, s7;
	s8 =	sadd.s32 s2, s8;
	s9 =	smax.u32 s31, $0x1  }
0xe: {  	s6 =	sadd.s32 $0xB400, s7;
	s7 =	sadd.s32 $0x1600, s7;
	s8 =	sadd.s32 $0x26C00, s8  }
.LBB2_1:
0xf: {  	[tilespmem:s3], [sflag:$0x7] =	stream.linear.gather [hbm4b:s6+s3], $0x2710, $0x38;
	[tilespmem:$0x13F00] =	vst v63  }
0x10: {  	_ =	swait.ge [sflag:s10], $0x2710  }
0x11: {  	[sflag:s10] =	ssyncset.done $0x0  }
0x12: {  	[sflag:s10] =	ssyncadd.s32 $0xFFFFD8F0  }
0x13: {  	[tilespmem:s11], [sflag:$0x7] =	stream.linear.gather [hbm4b:s7+s3], $0x2710, $0x38;
	[tilespmem:$0x13F00] =	vst v63  }
0x14: {  	_ =	swait.ge [sflag:s10], $0x2710  }
.Ltmp0:
0x15: {  	[sflag:s10] =	ssyncset.done $0x0;
	(pc) =	sbr.rel .LBB2_2-.Ltmp0, $4  }
0x16: {  	[sflag:s10] =	ssyncadd.s32 $0xFFFFD8F0  }
0x17: {  	[tilespmem:s13], [sflag:$0x1] =	stream.indirect.gather [hbm4b:s5+s12], $0x80, s3, s12, $0xb8;
	[tilespmem:$0x13F00] =	vst v63  }
0x18: {  	s25 =	simm.s32 $0x0  }
0x19: {  	[tilespmem:s14], [sflag:$0x3] =	stream.indirect.gather [hbm4b:s5+s12], $0x80, s11, s12, $0xb8;
	[tilespmem:$0x13F00] =	vst v63  }
.LBB2_5:
0x1a: {  	v1 =	vadd.f32 v3, v1;
	s25 =	smul.u32 $0x50, s25  }
0x1b: {  	[tilespmem:s28+$0x0] =	vst v6;
	v2 =	vadd.f32 v5, v2  }
0x1c: {  	v0 =	vadd.f32 v0, v4;
	[tilespmem:s28+$0x10] =	vst v1;
	s25 =	sadd.s32 s4, s25  }
0x1d: {  	[tilespmem:s28+$0x20] =	vst v2;
	s25 =	sshll.u32 s25, $0x4  }
0x1e: {  	[tilespmem:s28+$0xFFFFFFC0] =	vst v0;
	s25 =	sadd.s32 s2, s25  }
0x1f: {  	[hbm4b:s25+s3] =	stream.linear.scatter [tilespmem:s21], [sflag:$0x5], $0x2800, $0x38;
	[tilespmem:$0x13F00] =	vst v63  }
.LBB2_9:
0x20: {  	p0 =	sne.s32 s24, $0x7C  }
.Ltmp1:
0x21: {  	_ = 	snop;
	(pc) =	sbr.rel @!p0 .LBB2_10-.Ltmp1, $2  }
0x22: {  	_ =	sdelay $0x2  }
0x23: {  	s25 =	smov.u32 s24  }
.LBB2_2:
0x24: {  	s24 =	sadd.s32 $0x1, s25  }
0x25: {  	s26 =	sand.u32 $0x1, s24  }
0x26: {  	p0 =	seq.s32 s26, $0x1;
	s26 =	smul.u32 $0x50, s24  }
0x27: {  	s31 =	sand.u32 $0x1, s25;
	s28 =	simm.s32 @p0 $0x50;
	s29 =	simm.s32 @p0 $0x7700  }
0x28: {  	[tilespmem:s29], [sflag:$0x2] =	stream.indirect.gather @p0 [hbm4b:s5+s28], $0x80, s26, s28, $0xb8;
	[tilespmem:$0x13F00] =	vst v63  }
0x29: {  	p1 =	seq.s32 s31, $0x1;
	s30 =	simm.s32 @p0 $0xC700;
	s29 =	sadd.s32 $0x2780, s26  }
0x2a: {  	[tilespmem:s30], [sflag:$0x4] =	stream.indirect.gather @p0 [hbm4b:s5+s28], $0x80, s29, s28, $0xb8;
	[tilespmem:$0x13F00] =	vst v63  }
.Ltmp2:
0x2b: {  	s28 =	simm.s32 @!p0 $0x50;
	s30 =	simm.s32 @!p0 $0x4F00;
	(pc) =	sbr.rel @!p1 .LBB2_3-.Ltmp2, $4  }
0x2c: {  	[tilespmem:s30], [sflag:$0x1] =	stream.indirect.gather @!p0 [hbm4b:s5+s28], $0x80, s26, s28, $0xb8;
	[tilespmem:$0x13F00] =	vst v63  }
0x2d: {  	s26 =	simm.s32 @!p0 $0x9F00  }
0x2e: {  	[tilespmem:s26], [sflag:$0x3] =	stream.indirect.gather @!p0 [hbm4b:s5+s28], $0x80, s29, s28, $0xb8;
	[tilespmem:$0x13F00] =	vst v63  }
0x2f: {  	p0 =	slt.u32 s25, $0x2  }
0x30: {  	s26 =	simm.s32 @!p0 $0x6  }
0x31: {  	_ =	swait.ge @!p0 [sflag:s26], $0x2800  }
0x32: {  	[sflag:s26] =	ssyncset.done @!p0 $0x0  }
0x33: {  	[sflag:s26] =	ssyncadd.s32 @!p0 $0xFFFFD800  }
0x34: {  	_ =	swait.ge [sflag:s15], $0x2800  }
0x35: {  	[sflag:s15] =	ssyncset.done $0x0  }
0x36: {  	[sflag:s15] =	ssyncadd.s32 $0xFFFFD800  }
0x37: {  	_ =	swait.ge [sflag:s16], $0x2800  }
0x38: {  	[sflag:s16] =	ssyncset.done $0x0  }
0x39: {  	s30 =	simm.s32 $0x7740;
	[sflag:s16] =	ssyncadd.s32 $0xFFFFD800  }
0x3a: {  	s26 =	simm.s32 $0xC740;
	v1 =	vld [tilespmem:s30+$0x30]  }
0x3b: {  	v2 =	vld [tilespmem:s26+$0x30]  }
0x3c: {  	v0 =	vld [tilespmem:s26+$0xFFFFFFC0]  }
0x3d: {  	v3 =	vld [tilespmem:s30+$0xFFFFFFD0]  }
0x3e: {  	v4 =	vld [tilespmem:s26+$0xFFFFFFD0]  }
0x3f: {  	v5 =	vld [tilespmem:s30+$0xFFFFFFE0]  }
0x40: {  	v6 =	vld [tilespmem:s26+$0xFFFFFFE0]  }
0x41: {  	v7 =	vld [tilespmem:s30+$0xFFFFFFF0]  }
0x42: {  	v8 =	vld [tilespmem:s26+$0xFFFFFFF0]  }
0x43: {  	v9 =	vld [tilespmem:s30+$0x0]  }
0x44: {  	v10 =	vld [tilespmem:s26+$0x0];
	v2 =	vadd.f32 v2, v1  }
0x45: {  	s28 =	simm.s32 $0x11740;
	v4 =	vadd.f32 v4, v3;
	v1 =	vld [tilespmem:s30+$0x10]  }
0x46: {  	v5 =	vadd.f32 v6, v5;
	v3 =	vld [tilespmem:s26+$0x10];
	[tilespmem:s28+$0x30] =	vst v2  }
0x47: {  	v6 =	vadd.f32 v8, v7;
	[tilespmem:s28+$0xFFFFFFD0] =	vst v4;
	v2 =	vld [tilespmem:s30+$0x20]  }
0x48: {  	[tilespmem:s28+$0xFFFFFFE0] =	vst v5;
	v5 =	vld [tilespmem:s26+$0x20]  }
0x49: {  	s29 =	simm.s32 $0x0;
	v4 =	vld [tilespmem:s30+$0xFFFFFFC0];
	[tilespmem:s28+$0xFFFFFFF0] =	vst v6;
	v6 =	vadd.f32 v10, v9;
	s30 =	simm.s32 $0x77C0  }
.LBB2_7:
0x4a: {  	v7 =	vld [tilespmem:s30+$0x30];
	s26 =	sadd.s32 $0x80, s26  }
0x4b: {  	s29 =	sadd.s32 $0x8, s29;
	v8 =	vld [tilespmem:s26+$0x30];
	[tilespmem:s28+$0x0] =	vst v6;
	v1 =	vadd.f32 v3, v1  }
0x4c: {  	p0 =	slt.u32 s29, $0x278;
	v3 =	vld [tilespmem:s26+$0xFFFFFFC0]  }
0x4d: {  	v6 =	vld [tilespmem:s30+$0xFFFFFFD0];
	[tilespmem:s28+$0x10] =	vst v1;
	v1 =	vadd.f32 v5, v2  }
0x4e: {  	v2 =	vld [tilespmem:s26+$0xFFFFFFD0];
	v9 =	vadd.f32 v0, v4  }
0x4f: {  	v4 =	vld [tilespmem:s30+$0xFFFFFFE0];
	[tilespmem:s28+$0x20] =	vst v1  }
0x50: {  	v1 =	vld [tilespmem:s26+$0xFFFFFFE0];
	v5 =	vadd.f32 v8, v7;
	[tilespmem:s28+$0xFFFFFFC0] =	vst v9  }
0x51: {  	s28 =	sadd.s32 $0x80, s28;
	v7 =	vld [tilespmem:s30+$0xFFFFFFF0];
	v0 =	vmov v3  }
0x52: {  	v8 =	vld [tilespmem:s26+$0xFFFFFFF0];
	[tilespmem:s28+$0x30] =	vst v5  }
0x53: {  	v2 =	vadd.f32 v2, v6;
	v6 =	vld [tilespmem:s30+$0x0]  }
0x54: {  	v9 =	vld [tilespmem:s26+$0x0]  }
.Ltmp3:
0x55: {  	[tilespmem:s28+$0xFFFFFFD0] =	vst v2;
	v2 =	vadd.f32 v1, v4;
	v1 =	vld [tilespmem:s30+$0x10];
	(pc) =	sbr.rel @p0 .LBB2_7-.Ltmp3, $4  }
0x56: {  	v3 =	vld [tilespmem:s26+$0x10]  }
0x57: {  	[tilespmem:s28+$0xFFFFFFE0] =	vst v2;
	v7 =	vadd.f32 v8, v7;
	v2 =	vld [tilespmem:s30+$0x20]  }
0x58: {  	v5 =	vld [tilespmem:s26+$0x20]  }
0x59: {  	v4 =	vld [tilespmem:s30+$0xFFFFFFC0];
	[tilespmem:s28+$0xFFFFFFF0] =	vst v7;
	v6 =	vadd.f32 v9, v6;
	s30 =	sadd.s32 $0x80, s30  }
0x5a: {  	_ =	sdelay $0x1  }
0x5b: {  	s25 =	smul.u32 $0x50, s25;
	v1 =	vadd.f32 v3, v1  }
.Ltmp4:
0x5c: {  	[tilespmem:s28+$0x0] =	vst v6;
	v2 =	vadd.f32 v5, v2;
	(pc) =	sbr.rel .LBB2_9-.Ltmp4, $4  }
0x5d: {  	s25 =	sadd.s32 s4, s25;
	[tilespmem:s28+$0x10] =	vst v1;
	v0 =	vadd.f32 v0, v4  }
0x5e: {  	s25 =	sshll.u32 s25, $0x4;
	[tilespmem:s28+$0x20] =	vst v2  }
0x5f: {  	s25 =	sadd.s32 s2, s25;
	[tilespmem:s28+$0xFFFFFFC0] =	vst v0  }
0x60: {  	[hbm4b:s25+s3] =	stream.linear.scatter [tilespmem:s17], [sflag:$0x6], $0x2800, $0x38;
	[tilespmem:$0x13F00] =	vst v63  }
.LBB2_3:
0x61: {  	s26 =	simm.s32 @!p0 $0x5  }
0x62: {  	_ =	swait.ge @!p0 [sflag:s26], $0x2800  }
0x63: {  	[sflag:s26] =	ssyncset.done @!p0 $0x0  }
0x64: {  	[sflag:s26] =	ssyncadd.s32 @!p0 $0xFFFFD800  }
0x65: {  	_ =	swait.ge [sflag:s19], $0x2800  }
0x66: {  	[sflag:s19] =	ssyncset.done $0x0  }
0x67: {  	[sflag:s19] =	ssyncadd.s32 $0xFFFFD800  }
0x68: {  	_ =	swait.ge [sflag:s20], $0x2800  }
0x69: {  	[sflag:s20] =	ssyncset.done $0x0  }
0x6a: {  	s30 =	simm.s32 $0x4F40;
	[sflag:s20] =	ssyncadd.s32 $0xFFFFD800  }
0x6b: {  	s26 =	simm.s32 $0x9F40;
	v1 =	vld [tilespmem:s30+$0x30]  }
0x6c: {  	v2 =	vld [tilespmem:s26+$0x30]  }
0x6d: {  	v0 =	vld [tilespmem:s26+$0xFFFFFFC0]  }
0x6e: {  	v3 =	vld [tilespmem:s30+$0xFFFFFFD0]  }
0x6f: {  	v4 =	vld [tilespmem:s26+$0xFFFFFFD0]  }
0x70: {  	v5 =	vld [tilespmem:s30+$0xFFFFFFE0]  }
0x71: {  	v6 =	vld [tilespmem:s26+$0xFFFFFFE0]  }
0x72: {  	v7 =	vld [tilespmem:s30+$0xFFFFFFF0]  }
0x73: {  	v8 =	vld [tilespmem:s26+$0xFFFFFFF0]  }
0x74: {  	v9 =	vld [tilespmem:s30+$0x0]  }
0x75: {  	v10 =	vld [tilespmem:s26+$0x0];
	v2 =	vadd.f32 v2, v1  }
0x76: {  	s28 =	simm.s32 $0xEF40;
	v4 =	vadd.f32 v4, v3;
	v1 =	vld [tilespmem:s30+$0x10]  }
0x77: {  	v5 =	vadd.f32 v6, v5;
	v3 =	vld [tilespmem:s26+$0x10];
	[tilespmem:s28+$0x30] =	vst v2  }
0x78: {  	v6 =	vadd.f32 v8, v7;
	[tilespmem:s28+$0xFFFFFFD0] =	vst v4;
	v2 =	vld [tilespmem:s30+$0x20]  }
0x79: {  	[tilespmem:s28+$0xFFFFFFE0] =	vst v5;
	v5 =	vld [tilespmem:s26+$0x20]  }
0x7a: {  	s29 =	simm.s32 $0x0;
	v4 =	vld [tilespmem:s30+$0xFFFFFFC0];
	[tilespmem:s28+$0xFFFFFFF0] =	vst v6;
	v6 =	vadd.f32 v10, v9;
	s30 =	simm.s32 $0x4FC0  }
.LBB2_4:
0x7b: {  	v7 =	vld [tilespmem:s30+$0x30];
	s26 =	sadd.s32 $0x80, s26  }
0x7c: {  	s29 =	sadd.s32 $0x8, s29;
	v1 =	vadd.f32 v3, v1;
	v8 =	vld [tilespmem:s26+$0x30];
	[tilespmem:s28+$0x0] =	vst v6  }
0x7d: {  	p0 =	slt.u32 s29, $0x278;
	v3 =	vld [tilespmem:s26+$0xFFFFFFC0]  }
0x7e: {  	v6 =	vld [tilespmem:s30+$0xFFFFFFD0];
	[tilespmem:s28+$0x10] =	vst v1;
	v1 =	vadd.f32 v5, v2  }
0x7f: {  	v9 =	vadd.f32 v0, v4;
	v2 =	vld [tilespmem:s26+$0xFFFFFFD0]  }
0x80: {  	v4 =	vld [tilespmem:s30+$0xFFFFFFE0];
	[tilespmem:s28+$0x20] =	vst v1  }
0x81: {  	v1 =	vld [tilespmem:s26+$0xFFFFFFE0];
	v5 =	vadd.f32 v8, v7;
	[tilespmem:s28+$0xFFFFFFC0] =	vst v9  }
0x82: {  	s28 =	sadd.s32 $0x80, s28;
	v7 =	vld [tilespmem:s30+$0xFFFFFFF0];
	v0 =	vmov v3  }
0x83: {  	v8 =	vld [tilespmem:s26+$0xFFFFFFF0];
	[tilespmem:s28+$0x30] =	vst v5  }
0x84: {  	v2 =	vadd.f32 v2, v6;
	v6 =	vld [tilespmem:s30+$0x0]  }
0x85: {  	v9 =	vld [tilespmem:s26+$0x0]  }
.Ltmp5:
0x86: {  	[tilespmem:s28+$0xFFFFFFD0] =	vst v2;
	v2 =	vadd.f32 v1, v4;
	v1 =	vld [tilespmem:s30+$0x10];
	(pc) =	sbr.rel @p0 .LBB2_4-.Ltmp5, $4  }
0x87: {  	v3 =	vld [tilespmem:s26+$0x10]  }
0x88: {  	[tilespmem:s28+$0xFFFFFFE0] =	vst v2;
	v7 =	vadd.f32 v8, v7;
	v2 =	vld [tilespmem:s30+$0x20]  }
0x89: {  	v5 =	vld [tilespmem:s26+$0x20]  }
0x8a: {  	v4 =	vld [tilespmem:s30+$0xFFFFFFC0];
	[tilespmem:s28+$0xFFFFFFF0] =	vst v7;
	v6 =	vadd.f32 v9, v6;
	s30 =	sadd.s32 $0x80, s30  }
.Ltmp6:
0x8b: {  	_ = 	snop;
	(pc) =	sbr.rel .LBB2_5-.Ltmp6, $1  }
0x8c: {  	_ =	sdelay $0x3  }
.LBB2_10:
0x8d: {  	_ =	swait.ge [sflag:s18], $0x2800  }
0x8e: {  	[sflag:s18] =	ssyncset.done $0x0  }
0x8f: {  	[sflag:s18] =	ssyncadd.s32 $0xFFFFD800  }
0x90: {  	_ =	swait.ge [sflag:s19], $0x2800  }
0x91: {  	[sflag:s19] =	ssyncset.done $0x0  }
0x92: {  	[sflag:s19] =	ssyncadd.s32 $0xFFFFD800  }
0x93: {  	_ =	swait.ge [sflag:s20], $0x2800  }
0x94: {  	[sflag:s20] =	ssyncset.done $0x0  }
0x95: {  	s28 =	simm.s32 $0x4F40;
	[sflag:s20] =	ssyncadd.s32 $0xFFFFD800  }
0x96: {  	s24 =	simm.s32 $0x9F40;
	v1 =	vld [tilespmem:s28+$0x30]  }
0x97: {  	v2 =	vld [tilespmem:s24+$0x30]  }
0x98: {  	v0 =	vld [tilespmem:s24+$0xFFFFFFC0]  }
0x99: {  	v3 =	vld [tilespmem:s28+$0xFFFFFFD0]  }
0x9a: {  	v4 =	vld [tilespmem:s24+$0xFFFFFFD0]  }
0x9b: {  	v5 =	vld [tilespmem:s28+$0xFFFFFFE0]  }
0x9c: {  	v6 =	vld [tilespmem:s24+$0xFFFFFFE0]  }
0x9d: {  	v7 =	vld [tilespmem:s28+$0xFFFFFFF0]  }
0x9e: {  	v8 =	vld [tilespmem:s24+$0xFFFFFFF0]  }
0x9f: {  	v9 =	vld [tilespmem:s28+$0x0]  }
0xa0: {  	v10 =	vld [tilespmem:s24+$0x0];
	v2 =	vadd.f32 v2, v1  }
0xa1: {  	s25 =	simm.s32 $0xEF40;
	v4 =	vadd.f32 v4, v3;
	v1 =	vld [tilespmem:s28+$0x10]  }
0xa2: {  	v5 =	vadd.f32 v6, v5;
	v3 =	vld [tilespmem:s24+$0x10];
	[tilespmem:s25+$0x30] =	vst v2  }
0xa3: {  	v6 =	vadd.f32 v8, v7;
	[tilespmem:s25+$0xFFFFFFD0] =	vst v4;
	v2 =	vld [tilespmem:s28+$0x20]  }
0xa4: {  	[tilespmem:s25+$0xFFFFFFE0] =	vst v5;
	v5 =	vld [tilespmem:s24+$0x20]  }
0xa5: {  	s26 =	simm.s32 $0x0;
	v4 =	vld [tilespmem:s28+$0xFFFFFFC0];
	[tilespmem:s25+$0xFFFFFFF0] =	vst v6;
	v6 =	vadd.f32 v10, v9;
	s28 =	simm.s32 $0x4FC0  }
.LBB2_11:
0xa6: {  	v7 =	vld [tilespmem:s28+$0x30];
	s24 =	sadd.s32 $0x80, s24  }
0xa7: {  	s26 =	sadd.s32 $0x8, s26;
	v8 =	vld [tilespmem:s24+$0x30];
	[tilespmem:s25+$0x0] =	vst v6;
	v1 =	vadd.f32 v3, v1  }
0xa8: {  	p0 =	slt.u32 s26, $0x278;
	v3 =	vld [tilespmem:s24+$0xFFFFFFC0]  }
0xa9: {  	v6 =	vld [tilespmem:s28+$0xFFFFFFD0];
	[tilespmem:s25+$0x10] =	vst v1;
	v1 =	vadd.f32 v5, v2  }
0xaa: {  	v2 =	vld [tilespmem:s24+$0xFFFFFFD0];
	v9 =	vadd.f32 v0, v4  }
0xab: {  	v4 =	vld [tilespmem:s28+$0xFFFFFFE0];
	[tilespmem:s25+$0x20] =	vst v1  }
0xac: {  	v1 =	vld [tilespmem:s24+$0xFFFFFFE0];
	v5 =	vadd.f32 v8, v7;
	[tilespmem:s25+$0xFFFFFFC0] =	vst v9  }
0xad: {  	s25 =	sadd.s32 $0x80, s25;
	v7 =	vld [tilespmem:s28+$0xFFFFFFF0];
	v0 =	vmov v3  }
0xae: {  	v8 =	vld [tilespmem:s24+$0xFFFFFFF0];
	[tilespmem:s25+$0x30] =	vst v5  }
0xaf: {  	v2 =	vadd.f32 v2, v6;
	v6 =	vld [tilespmem:s28+$0x0]  }
0xb0: {  	v9 =	vld [tilespmem:s24+$0x0]  }
.Ltmp7:
0xb1: {  	[tilespmem:s25+$0xFFFFFFD0] =	vst v2;
	v2 =	vadd.f32 v1, v4;
	v1 =	vld [tilespmem:s28+$0x10];
	(pc) =	sbr.rel @p0 .LBB2_11-.Ltmp7, $4  }
0xb2: {  	v3 =	vld [tilespmem:s24+$0x10]  }
0xb3: {  	[tilespmem:s25+$0xFFFFFFE0] =	vst v2;
	v7 =	vadd.f32 v8, v7;
	v2 =	vld [tilespmem:s28+$0x20]  }
0xb4: {  	v5 =	vld [tilespmem:s24+$0x20]  }
0xb5: {  	v4 =	vld [tilespmem:s28+$0xFFFFFFC0];
	[tilespmem:s25+$0xFFFFFFF0] =	vst v7;
	v6 =	vadd.f32 v9, v6;
	s28 =	sadd.s32 $0x80, s28  }
0xb6: {  	_ =	sdelay $0x1  }
0xb7: {  	v1 =	vadd.f32 v3, v1  }
0xb8: {  	[tilespmem:s25+$0x0] =	vst v6;
	v2 =	vadd.f32 v5, v2  }
0xb9: {  	[tilespmem:s25+$0x10] =	vst v1;
	v0 =	vadd.f32 v0, v4  }
0xba: {  	[tilespmem:s25+$0x20] =	vst v2  }
0xbb: {  	s23 =	sadd.s32 $0x1, s23;
	[tilespmem:s25+$0xFFFFFFC0] =	vst v0  }
0xbc: {  	[hbm4b:s8+s3] =	stream.linear.scatter [tilespmem:s21], [sflag:$0x5], $0x2800, $0x38;
	[tilespmem:$0x13F00] =	vst v63  }
0xbd: {  	p0 =	sne.s32 s23, s9;
	_ =	swait.ge [sflag:s18], $0x2800  }
.Ltmp8:
0xbe: {  	[sflag:s18] =	ssyncset.done $0x0;
	(pc) =	sbr.rel @p0 .LBB2_1-.Ltmp8, $4  }
0xbf: {  	[sflag:s18] =	ssyncadd.s32 $0xFFFFD800  }
0xc0: {  	_ =	swait.ge [sflag:s22], $0x2800  }
0xc1: {  	[sflag:s22] =	ssyncset.done $0x0  }
0xc2: {  	[sflag:s22] =	ssyncadd.s32 $0xFFFFD800  }
0xc3: {  	_ =	sfence.sel $0x180000  }
0xc4: {  	[bflag:$0x0] =	sbarrier.arrive $0xFFFF  }
0xc5: {  	p0 =	sne.s32 s0, $0x0;
	_ =	strace $0x9000004A  }
0xc6: {  	s0 =	sadd.s32 @!p0 $0x100000, s1;
	[bflag:$0x2] =	sbarrier.arrive $0xFFFF  }
0xc7: {  	[sflag:s0] =	ssyncadd.tile.s32 @!p0 $0x1;
	_ =	shalt  }
.Lfunc_end2:
_tile_overlayer_lowered:
.L_overlay_start_2:
0xc8: {  	(tag) =	ssettag $0x2  }
0xc9: {  	s0 =	rddreg [dreg:$0x0];
	s2 =	stileid.u32  }
0xca: {  	s1 =	rddreg [dreg:$0x1];
	p0 =	sne.s32 s2, $0x0  }
0xcb: {  	s3 =	rddreg [dreg:$0x2];
	[bflag:$0x3] =	sbarrier.arrive $0xFFFF;
	s2 =	simm.s32 @!p0 $0x1C07  }
0xcc: {  	[timem:s3], [sflag:s2] =	dma.local @!p0 [hbm:s0], s1  }
0xcd: {  	s0 =	simm.s32 @!p0 $0x7  }
0xce: {  	_ =	swait.ge @!p0 [sflag:s0], s1  }
0xcf: {  	s1 =	ssub.s32 @!p0 $0x0, s1;
	[sflag:s0] =	ssyncset.done @!p0 $0x0  }
0xd0: {  	[sflag:s0] =	ssyncadd.s32 @!p0 s1  }
0xd1: {  	[bflag:$0x3] =	sbarrier.arrive $0xFFFF  }
0xd2: {  	_ =	shalt  }

</sc_bundles>
